<compile_context>
chip_gen: v7x
topology: tpu7x:2x2x1
jax: 0.10.2.dev20260603
libtpu: 0.0.44.dev20260713+nightly
codegen_flags: <defaults>
</compile_context>

<pallas_src>
import functools

import jax
import jax.numpy as jnp
from jax import lax
from jax.experimental import pallas as pl
from jax.experimental.pallas import tpu as pltpu
from jax.experimental.pallas import tpu_sc as plsc

E = 64
CAP = 40
D = 768
DFF = 2048
NB = 2
S = 2048
T = NB * S
ECAP = NB * CAP
TRASH = E * ECAP
ROWS = 512
NBLK = T // ROWS
NW = 32
TPW = T // NW



def _router_body(x_ref, w_ref, logits_ref, dest_ref, eidx_ref, prob_ref,
                 counts_ref):
    i = pl.program_id(0)
    x = x_ref[...]
    logits = jnp.dot(x, w_ref[...], preferred_element_type=jnp.float32)
    logits_ref[...] = logits
    m = jnp.max(logits, axis=1, keepdims=True)
    ex = jnp.exp(logits - m)
    probs = ex / jnp.sum(ex, axis=1, keepdims=True)
    pm = jnp.max(probs, axis=1, keepdims=True)
    prob_ref[...] = pm
    lane = lax.broadcasted_iota(jnp.int32, probs.shape, 1)
    top1 = jnp.min(jnp.where(probs == pm, lane, E), axis=1, keepdims=True)
    onehot = (lane == top1).astype(jnp.float32)
    r = lax.broadcasted_iota(jnp.int32, (ROWS, ROWS), 0)
    c = lax.broadcasted_iota(jnp.int32, (ROWS, ROWS), 1)
    tri = (c <= r).astype(jnp.float32)

    @pl.when((i == 0) | (i == NBLK // 2))
    def _():
        counts_ref[...] = jnp.zeros_like(counts_ref)

    cum = jnp.dot(tri, onehot, preferred_element_type=jnp.float32)
    cum = cum + counts_ref[...]
    counts_ref[...] = jnp.max(cum, axis=0, keepdims=True)
    rank = jnp.sum(onehot * cum, axis=1, keepdims=True)
    kept = rank <= CAP
    b = i // (NBLK // 2)
    slot = top1 * ECAP + b * CAP + rank.astype(jnp.int32) - 1
    dest_ref[...] = jnp.where(kept, slot, TRASH)
    eidx_ref[...] = jnp.where(kept, top1, 0)


_router_call = pl.pallas_call(
    _router_body,
    grid=(NBLK,),
    in_specs=[
        pl.BlockSpec((ROWS, D), lambda i: (i, 0)),
        pl.BlockSpec((D, E), lambda i: (0, 0)),
    ],
    out_specs=[
        pl.BlockSpec((ROWS, E), lambda i: (i, 0)),
        pl.BlockSpec((ROWS, 1), lambda i: (i, 0)),
        pl.BlockSpec((ROWS, 1), lambda i: (i, 0)),
        pl.BlockSpec((ROWS, 1), lambda i: (i, 0)),
    ],
    out_shape=[
        jax.ShapeDtypeStruct((T, E), jnp.float32),
        jax.ShapeDtypeStruct((T, 1), jnp.int32),
        jax.ShapeDtypeStruct((T, 1), jnp.int32),
        jax.ShapeDtypeStruct((T, 1), jnp.float32),
    ],
    scratch_shapes=[pltpu.VMEM((1, E), jnp.float32)],
)


HTPW = TPW // 2



def _expert_body(dest_ref, flat_ref, wi_ref, wo_ref, y_ref):
    e = pl.program_id(0)
    slots = e * ECAP + lax.broadcasted_iota(jnp.int32, (ECAP, 1), 0)
    g = (dest_ref[...] == slots).astype(jnp.float32)
    x = jnp.dot(g, flat_ref[...], preferred_element_type=jnp.float32)
    h = jnp.maximum(
        jnp.dot(x, wi_ref[0], preferred_element_type=jnp.float32), 0.0)
    y_ref[...] = jnp.dot(h, wo_ref[0], preferred_element_type=jnp.float32)


_expert_call = pl.pallas_call(
    _expert_body,
    grid=(E,),
    in_specs=[
        pl.BlockSpec((1, T), lambda e: (0, 0)),
        pl.BlockSpec((T, D), lambda e: (0, 0)),
        pl.BlockSpec((1, D, DFF), lambda e: (e, 0, 0)),
        pl.BlockSpec((1, DFF, D), lambda e: (e, 0, 0)),
    ],
    out_specs=pl.BlockSpec((ECAP, D), lambda e: (e, 0)),
    out_shape=jax.ShapeDtypeStruct((TRASH + 1, D), jnp.float32),
)



def _gather_body(ydisp_hbm, dest_hbm, ytok_hbm, idx_v, rows_v,
                 sem_i0, sem_i1, sem_o0, sem_o1):
    wid = lax.axis_index("s") * 2 + lax.axis_index("c")
    base = wid * TPW
    pltpu.sync_copy(dest_hbm.at[pl.ds(base, HTPW)], idx_v.at[0])
    pltpu.sync_copy(dest_hbm.at[pl.ds(base + HTPW, HTPW)], idx_v.at[1])
    in0 = pltpu.async_copy(ydisp_hbm.at[idx_v.at[0]], rows_v.at[0], sem_i0)
    in1 = pltpu.async_copy(ydisp_hbm.at[idx_v.at[1]], rows_v.at[1], sem_i1)
    in0.wait()
    out0 = pltpu.async_copy(rows_v.at[0], ytok_hbm.at[pl.ds(base, HTPW)],
                            sem_o0)
    in1.wait()
    out1 = pltpu.async_copy(rows_v.at[1],
                            ytok_hbm.at[pl.ds(base + HTPW, HTPW)], sem_o1)
    out0.wait()
    out1.wait()


@functools.cache
def _gather_call():
    return functools.partial(
        pl.kernel,
        out_type=jax.ShapeDtypeStruct((T, D), jnp.float32),
        mesh=plsc.VectorSubcoreMesh(core_axis_name="c",
                                    subcore_axis_name="s"),
        scratch_types=[
            pltpu.VMEM((2, HTPW), jnp.int32),
            pltpu.VMEM((2, HTPW, D), jnp.float32),
            pltpu.SemaphoreType.DMA,
            pltpu.SemaphoreType.DMA,
            pltpu.SemaphoreType.DMA,
            pltpu.SemaphoreType.DMA,
        ],
    )(_gather_body)



def _combine_body(y_ref, x_ref, dest_ref, prob_ref, o_ref):
    kept = dest_ref[...] != TRASH
    o_ref[...] = jnp.where(kept, y_ref[...], x_ref[...]) * prob_ref[...]


_combine_call = pl.pallas_call(
    _combine_body,
    grid=(NBLK,),
    in_specs=[
        pl.BlockSpec((ROWS, D), lambda i: (i, 0)),
        pl.BlockSpec((ROWS, D), lambda i: (i, 0)),
        pl.BlockSpec((ROWS, 1), lambda i: (i, 0)),
        pl.BlockSpec((ROWS, 1), lambda i: (i, 0)),
    ],
    out_specs=pl.BlockSpec((ROWS, D), lambda i: (i, 0)),
    out_shape=jax.ShapeDtypeStruct((T, D), jnp.float32),
)


def kernel(hidden_states, W_router, Wi, Wo):
    flat = hidden_states.reshape(T, D)
    logits, dest, eidx, prob = _router_call(flat, W_router)
    ydisp = _expert_call(dest.reshape(1, T), flat, Wi, Wo)
    ytok = _gather_call()(ydisp, dest.reshape(T))
    out_flat = _combine_call(ytok, flat, dest, prob)
    return (out_flat.reshape(NB, S, D),
            logits.reshape(NB, S, E),
            eidx.reshape(NB, S))

# --- scband reference (transcript-rebuilt; emitter-appended) ---
"""Pipeline reference for scband-switch-transformers-sparse-mlp-29858612642048 (READ-ONLY COPY).

The authoritative reference and input builder live on the scoring server;
editing this copy changes nothing except your own understanding.
"""

import jax, jax.numpy as jnp
import numpy as np

NUM_EXPERTS = 64
EXPERT_CAPACITY = 40
D_MODEL = 768
D_FF = 2048
B, S = 2, 2048


def setup_inputs(seed: int = 0):
    key = jax.random.key(seed)
    k1, k2, k3, k4 = jax.random.split(key, 4)
    hidden_states = jax.random.normal(k1, (B, S, D_MODEL), dtype=jnp.float32)
    W_router = jax.random.normal(k2, (D_MODEL, NUM_EXPERTS), dtype=jnp.float32) * 0.02
    Wi = jax.random.normal(k3, (NUM_EXPERTS, D_MODEL, D_FF), dtype=jnp.float32) * 0.02
    Wo = jax.random.normal(k4, (NUM_EXPERTS, D_FF, D_MODEL), dtype=jnp.float32) * 0.02
    return {"hidden_states": hidden_states, "W_router": W_router, "Wi": Wi, "Wo": Wo}


def reference(hidden_states, W_router, Wi, Wo):
    # SwitchTransformersTop1Router (eval mode: no jitter noise, no dropout)
    Bb, Ss, d = hidden_states.shape
    router_logits = jnp.einsum('bsd,de->bse', hidden_states.astype(jnp.float32), W_router)
    router_probs_full = jax.nn.softmax(router_logits, axis=-1)
    top1 = jnp.argmax(router_probs_full, axis=-1)                       # [B, S]
    one_hot = jax.nn.one_hot(top1, NUM_EXPERTS, dtype=jnp.int32)        # [B, S, E]
    # capacity masking: cumsum over sequence dim (dim=-2 in torch)
    token_priority = jnp.cumsum(one_hot, axis=-2)
    capacity_mask = (token_priority <= EXPERT_CAPACITY).astype(jnp.int32)
    router_mask = one_hot * capacity_mask                               # [B, S, E]
    router_probs = jnp.max(router_probs_full, axis=-1, keepdims=True)   # [B, S, 1]
    expert_index = jnp.argmax(router_mask, axis=-1)                     # [B, S]

    # SparseMLP dispatch: gather tokens per expert, run DenseActDense, scatter back
    T = Bb * Ss
    flat = hidden_states.reshape(T, d)
    mask_flat = router_mask.reshape(T, NUM_EXPERTS)
    mask_per_expert = jnp.transpose(mask_flat, (1, 0))                  # [E, T]

    def body(next_flat, inputs):
        Wi_i, Wo_i, m = inputs
        out = jnp.maximum(flat @ Wi_i, 0.0) @ Wo_i
        next_flat = jnp.where(m[:, None] > 0, out, next_flat)
        return next_flat, None

    next_flat, _ = jax.lax.scan(body, flat, (Wi, Wo, mask_per_expert))
    next_states = next_flat.reshape(Bb, Ss, d)
    hidden_out = router_probs * next_states
    return hidden_out, router_logits, expert_index

if __name__ == "__main__":
    import jax
    _d = setup_inputs()
    print(jax.jit(kernel)(*tuple(_d.values())))

</pallas_src>

<mosaic_0001>
#map = affine_map<(d0, d1) -> (0, 0)>
#map1 = affine_map<(d0, d1) -> (0)>
module attributes {stable_mosaic.version = 14 : i64} {
  func.func @_gather_body(%arg0: i32, %arg1: i32, %arg2: memref<5121x768xf32, #tpu.memory_space<hbm>>, %arg3: memref<4096xi32, #tpu.memory_space<hbm>>, %arg4: memref<4096x768xf32, #tpu.memory_space<hbm>>, %arg5: memref<2x64xi32, #tpu.memory_space<vmem>>, %arg6: memref<2x64x768xf32, #tpu.memory_space<vmem>>, %arg7: memref<!tpu.dma_semaphore, #tpu.memory_space<semaphore_mem>>, %arg8: memref<!tpu.dma_semaphore, #tpu.memory_space<semaphore_mem>>, %arg9: memref<!tpu.dma_semaphore, #tpu.memory_space<semaphore_mem>>, %arg10: memref<!tpu.dma_semaphore, #tpu.memory_space<semaphore_mem>>) attributes {dimension_semantics = [#tpu.dimension_semantics<core_parallel>, #tpu.dimension_semantics<subcore_parallel>], iteration_bounds = array<i64: 2, 16>, scalar_prefetch = 0 : i64, scratch_operands = 6 : i64, tpu.core_type = #tpu.core_type<sc_vector_subcore>, window_params = [{transform_indices = #map}, {transform_indices = #map1}, {transform_indices = #map}]} {
    %mul3A = arith.constant 2 : i32
    %mul3A_0 = arith.muli %arg1, %mul3A : i32
    %add3A = arith.addi %mul3A_0, %arg0 : i32
    %mul3A_1 = arith.constant 128 : i32
    %mul3A_2 = arith.muli %add3A, %mul3A_1 : i32
    %run_scoped3A = arith.constant 0 : i32
    "tpu.region"() ({
      %run_scoped3A_106 = tpu.sem_alloc : memref<!tpu.dma_semaphore, #tpu.memory_space<semaphore_mem>>
      %dma_start3A_107 = arith.constant 0 : i32
      %dma_start3A_108 = tpu.memref_slice %arg5[%run_scoped3A, %dma_start3A_107] : memref<2x64xi32, #tpu.memory_space<vmem>> -> memref<1x64xi32, #tpu.memory_space<vmem>>
      %dma_start3A_109 = tpu.memref_squeeze %dma_start3A_108 : memref<1x64xi32, #tpu.memory_space<vmem>> -> memref<64xi32, #tpu.memory_space<vmem>>
      %dma_start3A_110 = tpu.memref_slice %arg3[%mul3A_2] : memref<4096xi32, #tpu.memory_space<hbm>> -> memref<64xi32, #tpu.memory_space<hbm>>
      %dma_start3A_111 = arith.constant 0 : i32
      %dma_start3A_112 = tpu.memref_slice %arg5[%run_scoped3A, %dma_start3A_111] : memref<2x64xi32, #tpu.memory_space<vmem>> -> memref<1x64xi32, #tpu.memory_space<vmem>>
      %dma_start3A_113 = tpu.memref_squeeze %dma_start3A_112 : memref<1x64xi32, #tpu.memory_space<vmem>> -> memref<64xi32, #tpu.memory_space<vmem>>
      %dma_start3A_114 = tpu.memref_slice %arg3[%mul3A_2] : memref<4096xi32, #tpu.memory_space<hbm>> -> memref<64xi32, #tpu.memory_space<hbm>>
      tpu.enqueue_dma source(%dma_start3A_114 : memref<64xi32, #tpu.memory_space<hbm>>) target(%dma_start3A_113 : memref<64xi32, #tpu.memory_space<vmem>>) target_semaphore(%run_scoped3A_106 : memref<!tpu.dma_semaphore, #tpu.memory_space<semaphore_mem>>)
      %dma_wait3A_115 = arith.constant 0 : i32
      %dma_wait3A_116 = tpu.memref_slice %arg5[%run_scoped3A, %dma_wait3A_115] : memref<2x64xi32, #tpu.memory_space<vmem>> -> memref<1x64xi32, #tpu.memory_space<vmem>>
      %dma_wait3A_117 = tpu.memref_squeeze %dma_wait3A_116 : memref<1x64xi32, #tpu.memory_space<vmem>> -> memref<64xi32, #tpu.memory_space<vmem>>
      %dma_wait3A_118 = tpu.memref_slice %arg3[%mul3A_2] : memref<4096xi32, #tpu.memory_space<hbm>> -> memref<64xi32, #tpu.memory_space<hbm>>
      %dma_wait3A_119 = arith.constant 0 : i32
      %dma_wait3A_120 = tpu.memref_slice %arg5[%run_scoped3A, %dma_wait3A_119] : memref<2x64xi32, #tpu.memory_space<vmem>> -> memref<1x64xi32, #tpu.memory_space<vmem>>
      %dma_wait3A_121 = tpu.memref_squeeze %dma_wait3A_120 : memref<1x64xi32, #tpu.memory_space<vmem>> -> memref<64xi32, #tpu.memory_space<vmem>>
      %dma_wait3A_122 = tpu.memref_slice %arg3[%mul3A_2] : memref<4096xi32, #tpu.memory_space<hbm>> -> memref<64xi32, #tpu.memory_space<hbm>>
      tpu.wait_dma2 semaphore(%run_scoped3A_106 : memref<!tpu.dma_semaphore, #tpu.memory_space<semaphore_mem>>) src(%dma_wait3A_122 : memref<64xi32, #tpu.memory_space<hbm>>) dst(%dma_wait3A_121 : memref<64xi32, #tpu.memory_space<vmem>>)
      tpu.yield
    }) : () -> ()
    %add3A_3 = arith.constant 64 : i32
    %add3A_4 = arith.addi %mul3A_2, %add3A_3 : i32
    %run_scoped3A_5 = arith.constant 1 : i32
    "tpu.region"() ({
      %run_scoped3A_106 = tpu.sem_alloc : memref<!tpu.dma_semaphore, #tpu.memory_space<semaphore_mem>>
      %dma_start3A_107 = arith.constant 0 : i32
      %dma_start3A_108 = tpu.memref_slice %arg5[%run_scoped3A_5, %dma_start3A_107] : memref<2x64xi32, #tpu.memory_space<vmem>> -> memref<1x64xi32, #tpu.memory_space<vmem>>
      %dma_start3A_109 = tpu.memref_squeeze %dma_start3A_108 : memref<1x64xi32, #tpu.memory_space<vmem>> -> memref<64xi32, #tpu.memory_space<vmem>>
      %dma_start3A_110 = tpu.memref_slice %arg3[%add3A_4] : memref<4096xi32, #tpu.memory_space<hbm>> -> memref<64xi32, #tpu.memory_space<hbm>>
      %dma_start3A_111 = arith.constant 0 : i32
      %dma_start3A_112 = tpu.memref_slice %arg5[%run_scoped3A_5, %dma_start3A_111] : memref<2x64xi32, #tpu.memory_space<vmem>> -> memref<1x64xi32, #tpu.memory_space<vmem>>
      %dma_start3A_113 = tpu.memref_squeeze %dma_start3A_112 : memref<1x64xi32, #tpu.memory_space<vmem>> -> memref<64xi32, #tpu.memory_space<vmem>>
      %dma_start3A_114 = tpu.memref_slice %arg3[%add3A_4] : memref<4096xi32, #tpu.memory_space<hbm>> -> memref<64xi32, #tpu.memory_space<hbm>>
      tpu.enqueue_dma source(%dma_start3A_114 : memref<64xi32, #tpu.memory_space<hbm>>) target(%dma_start3A_113 : memref<64xi32, #tpu.memory_space<vmem>>) target_semaphore(%run_scoped3A_106 : memref<!tpu.dma_semaphore, #tpu.memory_space<semaphore_mem>>)
      %dma_wait3A_115 = arith.constant 0 : i32
      %dma_wait3A_116 = tpu.memref_slice %arg5[%run_scoped3A_5, %dma_wait3A_115] : memref<2x64xi32, #tpu.memory_space<vmem>> -> memref<1x64xi32, #tpu.memory_space<vmem>>
      %dma_wait3A_117 = tpu.memref_squeeze %dma_wait3A_116 : memref<1x64xi32, #tpu.memory_space<vmem>> -> memref<64xi32, #tpu.memory_space<vmem>>
      %dma_wait3A_118 = tpu.memref_slice %arg3[%add3A_4] : memref<4096xi32, #tpu.memory_space<hbm>> -> memref<64xi32, #tpu.memory_space<hbm>>
      %dma_wait3A_119 = arith.constant 0 : i32
      %dma_wait3A_120 = tpu.memref_slice %arg5[%run_scoped3A_5, %dma_wait3A_119] : memref<2x64xi32, #tpu.memory_space<vmem>> -> memref<1x64xi32, #tpu.memory_space<vmem>>
      %dma_wait3A_121 = tpu.memref_squeeze %dma_wait3A_120 : memref<1x64xi32, #tpu.memory_space<vmem>> -> memref<64xi32, #tpu.memory_space<vmem>>
      %dma_wait3A_122 = tpu.memref_slice %arg3[%add3A_4] : memref<4096xi32, #tpu.memory_space<hbm>> -> memref<64xi32, #tpu.memory_space<hbm>>
      tpu.wait_dma2 semaphore(%run_scoped3A_106 : memref<!tpu.dma_semaphore, #tpu.memory_space<semaphore_mem>>) src(%dma_wait3A_122 : memref<64xi32, #tpu.memory_space<hbm>>) dst(%dma_wait3A_121 : memref<64xi32, #tpu.memory_space<vmem>>)
      tpu.yield
    }) : () -> ()
    %dma_start3A = arith.constant 0 : i32
    %dma_start3A_6 = arith.constant 0 : i32
    %dma_start3A_7 = arith.constant 0 : i32
    %dma_start3A_8 = arith.constant 0 : i32
    %dma_start3A_9 = tpu.memref_slice %arg6[%dma_start3A_6, %dma_start3A_7, %dma_start3A_8] : memref<2x64x768xf32, #tpu.memory_space<vmem>> -> memref<1x64x768xf32, #tpu.memory_space<vmem>>
    %dma_start3A_10 = tpu.memref_squeeze %dma_start3A_9 : memref<1x64x768xf32, #tpu.memory_space<vmem>> -> memref<64x768xf32, #tpu.memory_space<vmem>>
    %dma_start3A_11 = arith.constant 0 : i32
    %dma_start3A_12 = tpu.memref_slice %arg5[%dma_start3A, %dma_start3A_11] : memref<2x64xi32, #tpu.memory_space<vmem>> -> memref<1x64xi32, #tpu.memory_space<vmem>>
    %dma_start3A_13 = tpu.memref_squeeze %dma_start3A_12 : memref<1x64xi32, #tpu.memory_space<vmem>> -> memref<64xi32, #tpu.memory_space<vmem>>
    %dma_start3A_14 = arith.constant 0 : i32
    %dma_start3A_15 = arith.constant 0 : i32
    %dma_start3A_16 = tpu.memref_slice %arg2[%dma_start3A_14, %dma_start3A_15] : memref<5121x768xf32, #tpu.memory_space<hbm>> -> memref<5121x768xf32, #tpu.memory_space<hbm>>
    tpu.enqueue_indirect_dma source(%dma_start3A_16 : memref<5121x768xf32, #tpu.memory_space<hbm>>) target(%dma_start3A_10 : memref<64x768xf32, #tpu.memory_space<vmem>>) offsets(%dma_start3A_13 : memref<64xi32, #tpu.memory_space<vmem>>) semaphore(%arg7 : memref<!tpu.dma_semaphore, #tpu.memory_space<semaphore_mem>>)
    %dma_start3A_17 = arith.constant 1 : i32
    %dma_start3A_18 = arith.constant 1 : i32
    %dma_start3A_19 = arith.constant 0 : i32
    %dma_start3A_20 = arith.constant 0 : i32
    %dma_start3A_21 = tpu.memref_slice %arg6[%dma_start3A_18, %dma_start3A_19, %dma_start3A_20] : memref<2x64x768xf32, #tpu.memory_space<vmem>> -> memref<1x64x768xf32, #tpu.memory_space<vmem>>
    %dma_start3A_22 = tpu.memref_squeeze %dma_start3A_21 : memref<1x64x768xf32, #tpu.memory_space<vmem>> -> memref<64x768xf32, #tpu.memory_space<vmem>>
    %dma_start3A_23 = arith.constant 0 : i32
    %dma_start3A_24 = tpu.memref_slice %arg5[%dma_start3A_17, %dma_start3A_23] : memref<2x64xi32, #tpu.memory_space<vmem>> -> memref<1x64xi32, #tpu.memory_space<vmem>>
    %dma_start3A_25 = tpu.memref_squeeze %dma_start3A_24 : memref<1x64xi32, #tpu.memory_space<vmem>> -> memref<64xi32, #tpu.memory_space<vmem>>
    %dma_start3A_26 = arith.constant 0 : i32
    %dma_start3A_27 = arith.constant 0 : i32
    %dma_start3A_28 = tpu.memref_slice %arg2[%dma_start3A_26, %dma_start3A_27] : memref<5121x768xf32, #tpu.memory_space<hbm>> -> memref<5121x768xf32, #tpu.memory_space<hbm>>
    tpu.enqueue_indirect_dma source(%dma_start3A_28 : memref<5121x768xf32, #tpu.memory_space<hbm>>) target(%dma_start3A_22 : memref<64x768xf32, #tpu.memory_space<vmem>>) offsets(%dma_start3A_25 : memref<64xi32, #tpu.memory_space<vmem>>) semaphore(%arg8 : memref<!tpu.dma_semaphore, #tpu.memory_space<semaphore_mem>>)
    %dma_wait3A = arith.constant 0 : i32
    %dma_wait3A_29 = arith.constant 0 : i32
    %dma_wait3A_30 = arith.constant 0 : i32
    %dma_wait3A_31 = arith.constant 0 : i32
    %dma_wait3A_32 = tpu.memref_slice %arg6[%dma_wait3A_29, %dma_wait3A_30, %dma_wait3A_31] : memref<2x64x768xf32, #tpu.memory_space<vmem>> -> memref<1x64x768xf32, #tpu.memory_space<vmem>>
    %dma_wait3A_33 = tpu.memref_squeeze %dma_wait3A_32 : memref<1x64x768xf32, #tpu.memory_space<vmem>> -> memref<64x768xf32, #tpu.memory_space<vmem>>
    %dma_wait3A_34 = arith.constant 0 : i32
    %dma_wait3A_35 = tpu.memref_slice %arg5[%dma_wait3A, %dma_wait3A_34] : memref<2x64xi32, #tpu.memory_space<vmem>> -> memref<1x64xi32, #tpu.memory_space<vmem>>
    %dma_wait3A_36 = tpu.memref_squeeze %dma_wait3A_35 : memref<1x64xi32, #tpu.memory_space<vmem>> -> memref<64xi32, #tpu.memory_space<vmem>>
    %dma_wait3A_37 = arith.constant 0 : i32
    %dma_wait3A_38 = arith.constant 0 : i32
    %dma_wait3A_39 = tpu.memref_slice %arg2[%dma_wait3A_37, %dma_wait3A_38] : memref<5121x768xf32, #tpu.memory_space<hbm>> -> memref<5121x768xf32, #tpu.memory_space<hbm>>
    tpu.wait_indirect_dma semaphore(%arg7 : memref<!tpu.dma_semaphore, #tpu.memory_space<semaphore_mem>>) src(%dma_wait3A_39 : memref<5121x768xf32, #tpu.memory_space<hbm>>) dst(%dma_wait3A_33 : memref<64x768xf32, #tpu.memory_space<vmem>>)
    %dma_start3A_40 = arith.constant 0 : i32
    %dma_start3A_41 = arith.constant 0 : i32
    %dma_start3A_42 = arith.constant 0 : i32
    %dma_start3A_43 = tpu.memref_slice %arg6[%dma_start3A_40, %dma_start3A_41, %dma_start3A_42] : memref<2x64x768xf32, #tpu.memory_space<vmem>> -> memref<1x64x768xf32, #tpu.memory_space<vmem>>
    %dma_start3A_44 = tpu.memref_squeeze %dma_start3A_43 : memref<1x64x768xf32, #tpu.memory_space<vmem>> -> memref<64x768xf32, #tpu.memory_space<vmem>>
    %dma_start3A_45 = arith.constant 0 : i32
    %dma_start3A_46 = tpu.memref_slice %arg4[%mul3A_2, %dma_start3A_45] : memref<4096x768xf32, #tpu.memory_space<hbm>> -> memref<64x768xf32, #tpu.memory_space<hbm>>
    %dma_start3A_47 = arith.constant 0 : i32
    %dma_start3A_48 = tpu.memref_slice %arg4[%mul3A_2, %dma_start3A_47] : memref<4096x768xf32, #tpu.memory_space<hbm>> -> memref<64x768xf32, #tpu.memory_space<hbm>>
    %dma_start3A_49 = arith.constant 0 : i32
    %dma_start3A_50 = arith.constant 0 : i32
    %dma_start3A_51 = tpu.memref_slice %arg6[%dma_start3A_40, %dma_start3A_49, %dma_start3A_50] : memref<2x64x768xf32, #tpu.memory_space<vmem>> -> memref<1x64x768xf32, #tpu.memory_space<vmem>>
    %dma_start3A_52 = tpu.memref_squeeze %dma_start3A_51 : memref<1x64x768xf32, #tpu.memory_space<vmem>> -> memref<64x768xf32, #tpu.memory_space<vmem>>
    tpu.enqueue_dma source(%dma_start3A_52 : memref<64x768xf32, #tpu.memory_space<vmem>>) target(%dma_start3A_48 : memref<64x768xf32, #tpu.memory_space<hbm>>) target_semaphore(%arg9 : memref<!tpu.dma_semaphore, #tpu.memory_space<semaphore_mem>>)
    %dma_wait3A_53 = arith.constant 1 : i32
    %dma_wait3A_54 = arith.constant 1 : i32
    %dma_wait3A_55 = arith.constant 0 : i32
    %dma_wait3A_56 = arith.constant 0 : i32
    %dma_wait3A_57 = tpu.memref_slice %arg6[%dma_wait3A_54, %dma_wait3A_55, %dma_wait3A_56] : memref<2x64x768xf32, #tpu.memory_space<vmem>> -> memref<1x64x768xf32, #tpu.memory_space<vmem>>
    %dma_wait3A_58 = tpu.memref_squeeze %dma_wait3A_57 : memref<1x64x768xf32, #tpu.memory_space<vmem>> -> memref<64x768xf32, #tpu.memory_space<vmem>>
    %dma_wait3A_59 = arith.constant 0 : i32
    %dma_wait3A_60 = tpu.memref_slice %arg5[%dma_wait3A_53, %dma_wait3A_59] : memref<2x64xi32, #tpu.memory_space<vmem>> -> memref<1x64xi32, #tpu.memory_space<vmem>>
    %dma_wait3A_61 = tpu.memref_squeeze %dma_wait3A_60 : memref<1x64xi32, #tpu.memory_space<vmem>> -> memref<64xi32, #tpu.memory_space<vmem>>
    %dma_wait3A_62 = arith.constant 0 : i32
    %dma_wait3A_63 = arith.constant 0 : i32
    %dma_wait3A_64 = tpu.memref_slice %arg2[%dma_wait3A_62, %dma_wait3A_63] : memref<5121x768xf32, #tpu.memory_space<hbm>> -> memref<5121x768xf32, #tpu.memory_space<hbm>>
    tpu.wait_indirect_dma semaphore(%arg8 : memref<!tpu.dma_semaphore, #tpu.memory_space<semaphore_mem>>) src(%dma_wait3A_64 : memref<5121x768xf32, #tpu.memory_space<hbm>>) dst(%dma_wait3A_58 : memref<64x768xf32, #tpu.memory_space<vmem>>)
    %add3A_65 = arith.constant 64 : i32
    %add3A_66 = arith.addi %mul3A_2, %add3A_65 : i32
    %dma_start3A_67 = arith.constant 1 : i32
    %dma_start3A_68 = arith.constant 0 : i32
    %dma_start3A_69 = arith.constant 0 : i32
    %dma_start3A_70 = tpu.memref_slice %arg6[%dma_start3A_67, %dma_start3A_68, %dma_start3A_69] : memref<2x64x768xf32, #tpu.memory_space<vmem>> -> memref<1x64x768xf32, #tpu.memory_space<vmem>>
    %dma_start3A_71 = tpu.memref_squeeze %dma_start3A_70 : memref<1x64x768xf32, #tpu.memory_space<vmem>> -> memref<64x768xf32, #tpu.memory_space<vmem>>
    %dma_start3A_72 = arith.constant 0 : i32
    %dma_start3A_73 = tpu.memref_slice %arg4[%add3A_66, %dma_start3A_72] : memref<4096x768xf32, #tpu.memory_space<hbm>> -> memref<64x768xf32, #tpu.memory_space<hbm>>
    %dma_start3A_74 = arith.constant 0 : i32
    %dma_start3A_75 = tpu.memref_slice %arg4[%add3A_66, %dma_start3A_74] : memref<4096x768xf32, #tpu.memory_space<hbm>> -> memref<64x768xf32, #tpu.memory_space<hbm>>
    %dma_start3A_76 = arith.constant 0 : i32
    %dma_start3A_77 = arith.constant 0 : i32
    %dma_start3A_78 = tpu.memref_slice %arg6[%dma_start3A_67, %dma_start3A_76, %dma_start3A_77] : memref<2x64x768xf32, #tpu.memory_space<vmem>> -> memref<1x64x768xf32, #tpu.memory_space<vmem>>
    %dma_start3A_79 = tpu.memref_squeeze %dma_start3A_78 : memref<1x64x768xf32, #tpu.memory_space<vmem>> -> memref<64x768xf32, #tpu.memory_space<vmem>>
    tpu.enqueue_dma source(%dma_start3A_79 : memref<64x768xf32, #tpu.memory_space<vmem>>) target(%dma_start3A_75 : memref<64x768xf32, #tpu.memory_space<hbm>>) target_semaphore(%arg10 : memref<!tpu.dma_semaphore, #tpu.memory_space<semaphore_mem>>)
    %dma_wait3A_80 = arith.constant 0 : i32
    %dma_wait3A_81 = arith.constant 0 : i32
    %dma_wait3A_82 = arith.constant 0 : i32
    %dma_wait3A_83 = tpu.memref_slice %arg6[%dma_wait3A_80, %dma_wait3A_81, %dma_wait3A_82] : memref<2x64x768xf32, #tpu.memory_space<vmem>> -> memref<1x64x768xf32, #tpu.memory_space<vmem>>
    %dma_wait3A_84 = tpu.memref_squeeze %dma_wait3A_83 : memref<1x64x768xf32, #tpu.memory_space<vmem>> -> memref<64x768xf32, #tpu.memory_space<vmem>>
    %dma_wait3A_85 = arith.constant 0 : i32
    %dma_wait3A_86 = tpu.memref_slice %arg4[%mul3A_2, %dma_wait3A_85] : memref<4096x768xf32, #tpu.memory_space<hbm>> -> memref<64x768xf32, #tpu.memory_space<hbm>>
    %dma_wait3A_87 = arith.constant 0 : i32
    %dma_wait3A_88 = tpu.memref_slice %arg4[%mul3A_2, %dma_wait3A_87] : memref<4096x768xf32, #tpu.memory_space<hbm>> -> memref<64x768xf32, #tpu.memory_space<hbm>>
    %dma_wait3A_89 = arith.constant 0 : i32
    %dma_wait3A_90 = arith.constant 0 : i32
    %dma_wait3A_91 = tpu.memref_slice %arg6[%dma_wait3A_80, %dma_wait3A_89, %dma_wait3A_90] : memref<2x64x768xf32, #tpu.memory_space<vmem>> -> memref<1x64x768xf32, #tpu.memory_space<vmem>>
    %dma_wait3A_92 = tpu.memref_squeeze %dma_wait3A_91 : memref<1x64x768xf32, #tpu.memory_space<vmem>> -> memref<64x768xf32, #tpu.memory_space<vmem>>
    tpu.wait_dma2 semaphore(%arg9 : memref<!tpu.dma_semaphore, #tpu.memory_space<semaphore_mem>>) src(%dma_wait3A_92 : memref<64x768xf32, #tpu.memory_space<vmem>>) dst(%dma_wait3A_88 : memref<64x768xf32, #tpu.memory_space<hbm>>)
    %dma_wait3A_93 = arith.constant 1 : i32
    %dma_wait3A_94 = arith.constant 0 : i32
    %dma_wait3A_95 = arith.constant 0 : i32
    %dma_wait3A_96 = tpu.memref_slice %arg6[%dma_wait3A_93, %dma_wait3A_94, %dma_wait3A_95] : memref<2x64x768xf32, #tpu.memory_space<vmem>> -> memref<1x64x768xf32, #tpu.memory_space<vmem>>
    %dma_wait3A_97 = tpu.memref_squeeze %dma_wait3A_96 : memref<1x64x768xf32, #tpu.memory_space<vmem>> -> memref<64x768xf32, #tpu.memory_space<vmem>>
    %dma_wait3A_98 = arith.constant 0 : i32
    %dma_wait3A_99 = tpu.memref_slice %arg4[%add3A_66, %dma_wait3A_98] : memref<4096x768xf32, #tpu.memory_space<hbm>> -> memref<64x768xf32, #tpu.memory_space<hbm>>
    %dma_wait3A_100 = arith.constant 0 : i32
    %dma_wait3A_101 = tpu.memref_slice %arg4[%add3A_66, %dma_wait3A_100] : memref<4096x768xf32, #tpu.memory_space<hbm>> -> memref<64x768xf32, #tpu.memory_space<hbm>>
    %dma_wait3A_102 = arith.constant 0 : i32
    %dma_wait3A_103 = arith.constant 0 : i32
    %dma_wait3A_104 = tpu.memref_slice %arg6[%dma_wait3A_93, %dma_wait3A_102, %dma_wait3A_103] : memref<2x64x768xf32, #tpu.memory_space<vmem>> -> memref<1x64x768xf32, #tpu.memory_space<vmem>>
    %dma_wait3A_105 = tpu.memref_squeeze %dma_wait3A_104 : memref<1x64x768xf32, #tpu.memory_space<vmem>> -> memref<64x768xf32, #tpu.memory_space<vmem>>
    tpu.wait_dma2 semaphore(%arg10 : memref<!tpu.dma_semaphore, #tpu.memory_space<semaphore_mem>>) src(%dma_wait3A_105 : memref<64x768xf32, #tpu.memory_space<vmem>>) dst(%dma_wait3A_101 : memref<64x768xf32, #tpu.memory_space<hbm>>)
    return
  }
}

module attributes {stable_mosaic.version = 14 : i64} {
  func.func @_router_body(%arg0: i32, %arg1: memref<512x768xf32, #tpu.memory_space<vmem>>, %arg2: memref<768x64xf32, #tpu.memory_space<vmem>>, %arg3: memref<512x64xf32, #tpu.memory_space<vmem>>, %arg4: memref<512x1xi32, #tpu.memory_space<vmem>>, %arg5: memref<512x1xi32, #tpu.memory_space<vmem>>, %arg6: memref<512x1xf32, #tpu.memory_space<vmem>>, %arg7: memref<1x64xf32, #tpu.memory_space<vmem>>) attributes {dimension_semantics = [#tpu.dimension_semantics<arbitrary>], iteration_bounds = array<i64: 8>, scalar_prefetch = 0 : i64, scratch_operands = 1 : i64, tpu.core_type = #tpu.core_type<tc>, window_params = [{transform_indices = @transform_0, window_bounds = array<i64: 512, 768>}, {pipeline_mode = #tpu.pipeline_mode<synchronous>, transform_indices = @transform_1, window_bounds = array<i64: 768, 64>}, {transform_indices = @transform_2, window_bounds = array<i64: 512, 64>}, {transform_indices = @transform_3, window_bounds = array<i64: 512, 1>}, {transform_indices = @transform_4, window_bounds = array<i64: 512, 1>}, {transform_indices = @transform_5, window_bounds = array<i64: 512, 1>}]} {
    %get3A = arith.constant 0 : index
    %get3A_0 = arith.constant 0 : index
    %get3A_1 = vector.load %arg1[%get3A, %get3A_0] : memref<512x768xf32, #tpu.memory_space<vmem>>, vector<512x768xf32>
    %get3A_2 = arith.constant 0 : index
    %get3A_3 = arith.constant 0 : index
    %get3A_4 = vector.load %arg2[%get3A_2, %get3A_3] : memref<768x64xf32, #tpu.memory_space<vmem>>, vector<768x64xf32>
    %dot_general3A = arith.constant dense<0.000000e+00> : vector<512x64xf32>
    %dot_general3A_5 = tpu.matmul %get3A_1, %get3A_4, %dot_general3A {dimension_numbers = #tpu.dot_dimension_numbers<[1], [0], [0], [1], [0, 0, 1, 1], [], []>, transpose_lhs_hint = false} : vector<512x768xf32>, vector<768x64xf32>, vector<512x64xf32> -> vector<512x64xf32>
    %swap3A = arith.constant 0 : index
    %swap3A_6 = arith.constant 0 : index
    %swap3A_7 = vector.load %arg3[%swap3A, %swap3A_6] : memref<512x64xf32, #tpu.memory_space<vmem>>, vector<512x64xf32>
    tpu.vector_store %arg3[%swap3A, %swap3A_6], %dot_general3A_5 {strides = array<i32>} : memref<512x64xf32, #tpu.memory_space<vmem>>, vector<512x64xf32>,
    %reduce_max3A = arith.constant dense<0xFF800000> : vector<512xf32>
    %reduce_max3A_8 = vector.multi_reduction <maximumf>, %dot_general3A_5, %reduce_max3A [1] : vector<512x64xf32> to vector<512xf32>
    %broadcast_in_dim3A = vector.shape_cast %reduce_max3A_8 : vector<512xf32> to vector<512x1xf32>
    %sub3A = vector.broadcast %broadcast_in_dim3A : vector<512x1xf32> to vector<512x64xf32>
    %sub3A_9 = arith.subf %dot_general3A_5, %sub3A : vector<512x64xf32>
    %exp3A = math.exp %sub3A_9 : vector<512x64xf32>
    %reduce_sum3A = arith.constant dense<0.000000e+00> : vector<512xf32>
    %reduce_sum3A_10 = vector.multi_reduction <add>, %exp3A, %reduce_sum3A [1] : vector<512x64xf32> to vector<512xf32>
    %broadcast_in_dim3A_11 = vector.shape_cast %reduce_sum3A_10 : vector<512xf32> to vector<512x1xf32>
    %div3A = vector.broadcast %broadcast_in_dim3A_11 : vector<512x1xf32> to vector<512x64xf32>
    %div3A_12 = arith.divf %exp3A, %div3A : vector<512x64xf32>
    %reduce_max3A_13 = arith.constant dense<0xFF800000> : vector<512xf32>
    %reduce_max3A_14 = vector.multi_reduction <maximumf>, %div3A_12, %reduce_max3A_13 [1] : vector<512x64xf32> to vector<512xf32>
    %broadcast_in_dim3A_15 = vector.shape_cast %reduce_max3A_14 : vector<512xf32> to vector<512x1xf32>
    %swap3A_16 = arith.constant 0 : index
    %swap3A_17 = arith.constant 0 : index
    %swap3A_18 = vector.load %arg6[%swap3A_16, %swap3A_17] : memref<512x1xf32, #tpu.memory_space<vmem>>, vector<512x1xf32>
    tpu.vector_store %arg6[%swap3A_16, %swap3A_17], %broadcast_in_dim3A_15 {strides = array<i32>} : memref<512x1xf32, #tpu.memory_space<vmem>>, vector<512x1xf32>,
    %iota3A = tpu.iota {dimensions = array<i32: 1>} : vector<512x64xi32>
    %eq3A = vector.broadcast %broadcast_in_dim3A_15 : vector<512x1xf32> to vector<512x64xf32>
    %eq3A_19 = arith.cmpf oeq, %div3A_12, %eq3A : vector<512x64xf32>
    %jit3A = arith.constant 64 : i32
    %broadcast_in_dim3A_20 = vector.broadcast %jit3A : i32 to vector<512x64xi32>
    %select_n3A = arith.select %eq3A_19, %iota3A, %broadcast_in_dim3A_20 : vector<512x64xi1>, vector<512x64xi32>
    %reduce_min3A = arith.constant dense<2147483647> : vector<512xi32>
    %reduce_min3A_21 = vector.multi_reduction <minsi>, %select_n3A, %reduce_min3A [1] : vector<512x64xi32> to vector<512xi32>
    %broadcast_in_dim3A_22 = vector.shape_cast %reduce_min3A_21 : vector<512xi32> to vector<512x1xi32>
    %eq3A_23 = vector.broadcast %broadcast_in_dim3A_22 : vector<512x1xi32> to vector<512x64xi32>
    %eq3A_24 = arith.cmpi eq, %iota3A, %eq3A_23 : vector<512x64xi32>
    %convert_element_type3A = arith.extui %eq3A_24 : vector<512x64xi1> to vector<512x64xi32>
    %convert_element_type3A_25 = arith.sitofp %convert_element_type3A : vector<512x64xi32> to vector<512x64xf32>
    %iota3A_26 = tpu.iota {dimensions = array<i32: 0>} : vector<512x512xi32>
    %iota3A_27 = tpu.iota {dimensions = array<i32: 1>} : vector<512x512xi32>
    %le3A = arith.cmpi sle, %iota3A_27, %iota3A_26 : vector<512x512xi32>
    %convert_element_type3A_28 = arith.extui %le3A : vector<512x512xi1> to vector<512x512xi32>
    %convert_element_type3A_29 = arith.sitofp %convert_element_type3A_28 : vector<512x512xi32> to vector<512x512xf32>
    %eq3A_30 = arith.constant 0 : i32
    %eq3A_31 = arith.cmpi eq, %arg0, %eq3A_30 : i32
    %eq3A_32 = arith.constant 4 : i32
    %eq3A_33 = arith.cmpi eq, %arg0, %eq3A_32 : i32
    %or3A = arith.ori %eq3A_31, %eq3A_33 : i1
    %convert_element_type3A_34 = arith.extui %or3A : i1 to i32
    %cond3A = arith.constant 0 : i32
    %cond3A_35 = arith.cmpi ne, %convert_element_type3A_34, %cond3A : i32
    scf.if %cond3A_35 {
      %broadcast_in_dim3A_98 = arith.constant 0.000000e+00 : f32
      %broadcast_in_dim3A_99 = vector.broadcast %broadcast_in_dim3A_98 : f32 to vector<1x64xf32>
      %swap3A_100 = arith.constant 0 : index
      %swap3A_101 = arith.constant 0 : index
      %swap3A_102 = vector.load %arg7[%swap3A_100, %swap3A_101] : memref<1x64xf32, #tpu.memory_space<vmem>>, vector<1x64xf32>
      tpu.vector_store %arg7[%swap3A_100, %swap3A_101], %broadcast_in_dim3A_99 {strides = array<i32>} : memref<1x64xf32, #tpu.memory_space<vmem>>, vector<1x64xf32>,
    } else {
    }
    %dot_general3A_36 = arith.constant dense<0.000000e+00> : vector<512x64xf32>
    %dot_general3A_37 = tpu.matmul %convert_element_type3A_29, %convert_element_type3A_25, %dot_general3A_36 {dimension_numbers = #tpu.dot_dimension_numbers<[1], [0], [0], [1], [0, 0, 1, 1], [], []>, transpose_lhs_hint = false} : vector<512x512xf32>, vector<512x64xf32>, vector<512x64xf32> -> vector<512x64xf32>
    %get3A_38 = arith.constant 0 : index
    %get3A_39 = arith.constant 0 : index
    %get3A_40 = vector.load %arg7[%get3A_38, %get3A_39] : memref<1x64xf32, #tpu.memory_space<vmem>>, vector<1x64xf32>
    %add3A = vector.broadcast %get3A_40 : vector<1x64xf32> to vector<512x64xf32>
    %add3A_41 = arith.addf %dot_general3A_37, %add3A : vector<512x64xf32>
    %reduce_max3A_42 = arith.constant dense<0xFF800000> : vector<64xf32>
    %reduce_max3A_43 = vector.multi_reduction <maximumf>, %add3A_41, %reduce_max3A_42 [0] : vector<512x64xf32> to vector<64xf32>
    %broadcast_in_dim3A_44 = vector.shape_cast %reduce_max3A_43 : vector<64xf32> to vector<1x64xf32>
    %swap3A_45 = arith.constant 0 : index
    %swap3A_46 = arith.constant 0 : index
    %swap3A_47 = vector.load %arg7[%swap3A_45, %swap3A_46] : memref<1x64xf32, #tpu.memory_space<vmem>>, vector<1x64xf32>
    tpu.vector_store %arg7[%swap3A_45, %swap3A_46], %broadcast_in_dim3A_44 {strides = array<i32>} : memref<1x64xf32, #tpu.memory_space<vmem>>, vector<1x64xf32>,
    %mul3A = arith.mulf %convert_element_type3A_25, %add3A_41 : vector<512x64xf32>
    %reduce_sum3A_48 = arith.constant dense<0.000000e+00> : vector<512xf32>
    %reduce_sum3A_49 = vector.multi_reduction <add>, %mul3A, %reduce_sum3A_48 [1] : vector<512x64xf32> to vector<512xf32>
    %broadcast_in_dim3A_50 = vector.shape_cast %reduce_sum3A_49 : vector<512xf32> to vector<512x1xf32>
    %le3A_51 = arith.constant 4.000000e+01 : f32
    %le3A_52 = vector.broadcast %le3A_51 : f32 to vector<512x1xf32>
    %le3A_53 = arith.cmpf ole, %broadcast_in_dim3A_50, %le3A_52 : vector<512x1xf32>
    %jit3A_54 = arith.constant 4 : i32
    %div3A_55 = arith.divsi %arg0, %jit3A_54 : i32
    %sign3A = arith.constant 0 : i32
    %sign3A_56 = arith.cmpi sgt, %arg0, %sign3A : i32
    %sign3A_57 = arith.extui %sign3A_56 : i1 to i32
    %sign3A_58 = arith.constant 0 : i32
    %sign3A_59 = arith.cmpi slt, %arg0, %sign3A_58 : i32
    %sign3A_60 = arith.extui %sign3A_59 : i1 to i32
    %sign3A_61 = arith.subi %sign3A_57, %sign3A_60 : i32
    %sign3A_62 = arith.constant 0 : i32
    %sign3A_63 = arith.cmpi sgt, %jit3A_54, %sign3A_62 : i32
    %sign3A_64 = arith.extui %sign3A_63 : i1 to i32
    %sign3A_65 = arith.constant 0 : i32
    %sign3A_66 = arith.cmpi slt, %jit3A_54, %sign3A_65 : i32
    %sign3A_67 = arith.extui %sign3A_66 : i1 to i32
    %sign3A_68 = arith.subi %sign3A_64, %sign3A_67 : i32
    %ne3A = arith.cmpi ne, %sign3A_61, %sign3A_68 : i32
    %rem3A = arith.remsi %arg0, %jit3A_54 : i32
    %ne3A_69 = arith.constant 0 : i32
    %ne3A_70 = arith.cmpi ne, %rem3A, %ne3A_69 : i32
    %and3A = arith.andi %ne3A, %ne3A_70 : i1
    %sub3A_71 = arith.constant 1 : i32
    %sub3A_72 = arith.subi %div3A_55, %sub3A_71 : i32
    %select_n3A_73 = arith.select %and3A, %sub3A_72, %div3A_55 : i32
    %mul3A_74 = arith.constant 80 : i32
    %mul3A_75 = vector.broadcast %mul3A_74 : i32 to vector<512x1xi32>
    %mul3A_76 = arith.muli %broadcast_in_dim3A_22, %mul3A_75 : vector<512x1xi32>
    %mul3A_77 = arith.constant 40 : i32
    %mul3A_78 = arith.muli %select_n3A_73, %mul3A_77 : i32
    %add3A_79 = vector.broadcast %mul3A_78 : i32 to vector<512x1xi32>
    %add3A_80 = arith.addi %mul3A_76, %add3A_79 : vector<512x1xi32>
    %convert_element_type3A_81 = arith.fptosi %broadcast_in_dim3A_50 : vector<512x1xf32> to vector<512x1xi32>
    %add3A_82 = arith.addi %add3A_80, %convert_element_type3A_81 : vector<512x1xi32>
    %sub3A_83 = arith.constant 1 : i32
    %sub3A_84 = vector.broadcast %sub3A_83 : i32 to vector<512x1xi32>
    %sub3A_85 = arith.subi %add3A_82, %sub3A_84 : vector<512x1xi32>
    %jit3A_86 = arith.constant 5120 : i32
    %broadcast_in_dim3A_87 = vector.broadcast %jit3A_86 : i32 to vector<512x1xi32>
    %select_n3A_88 = arith.select %le3A_53, %sub3A_85, %broadcast_in_dim3A_87 : vector<512x1xi1>, vector<512x1xi32>
    %swap3A_89 = arith.constant 0 : index
    %swap3A_90 = arith.constant 0 : index
    %swap3A_91 = vector.load %arg4[%swap3A_89, %swap3A_90] : memref<512x1xi32, #tpu.memory_space<vmem>>, vector<512x1xi32>
    tpu.vector_store %arg4[%swap3A_89, %swap3A_90], %select_n3A_88 {strides = array<i32>} : memref<512x1xi32, #tpu.memory_space<vmem>>, vector<512x1xi32>,
    %jit3A_92 = arith.constant 0 : i32
    %broadcast_in_dim3A_93 = vector.broadcast %jit3A_92 : i32 to vector<512x1xi32>
    %select_n3A_94 = arith.select %le3A_53, %broadcast_in_dim3A_22, %broadcast_in_dim3A_93 : vector<512x1xi1>, vector<512x1xi32>
    %swap3A_95 = arith.constant 0 : index
    %swap3A_96 = arith.constant 0 : index
    %swap3A_97 = vector.load %arg5[%swap3A_95, %swap3A_96] : memref<512x1xi32, #tpu.memory_space<vmem>>, vector<512x1xi32>
    tpu.vector_store %arg5[%swap3A_95, %swap3A_96], %select_n3A_94 {strides = array<i32>} : memref<512x1xi32, #tpu.memory_space<vmem>>, vector<512x1xi32>,
    return
  }
  func.func @transform_0(%arg0: i32) -> (i32, i32) {
    %c0_i32 = arith.constant 0 : i32
    %c0_i32_0 = arith.constant 0 : i32
    return %arg0, %c0_i32 : i32, i32
  }
  func.func @transform_1(%arg0: i32) -> (i32, i32) {
    %c0_i32 = arith.constant 0 : i32
    %c0_i32_0 = arith.constant 0 : i32
    %c0_i32_1 = arith.constant 0 : i32
    return %c0_i32, %c0_i32_0 : i32, i32
  }
  func.func @transform_2(%arg0: i32) -> (i32, i32) {
    %c0_i32 = arith.constant 0 : i32
    %c0_i32_0 = arith.constant 0 : i32
    return %arg0, %c0_i32 : i32, i32
  }
  func.func @transform_3(%arg0: i32) -> (i32, i32) {
    %c0_i32 = arith.constant 0 : i32
    %c0_i32_0 = arith.constant 0 : i32
    return %arg0, %c0_i32 : i32, i32
  }
  func.func @transform_4(%arg0: i32) -> (i32, i32) {
    %c0_i32 = arith.constant 0 : i32
    %c0_i32_0 = arith.constant 0 : i32
    return %arg0, %c0_i32 : i32, i32
  }
  func.func @transform_5(%arg0: i32) -> (i32, i32) {
    %c0_i32 = arith.constant 0 : i32
    %c0_i32_0 = arith.constant 0 : i32
    return %arg0, %c0_i32 : i32, i32
  }
}

module attributes {stable_mosaic.version = 14 : i64} {
  func.func @_expert_body(%arg0: i32, %arg1: memref<1x4096xi32, #tpu.memory_space<vmem>>, %arg2: memref<4096x768xf32, #tpu.memory_space<vmem>>, %arg3: memref<1x768x2048xf32, #tpu.memory_space<vmem>>, %arg4: memref<1x2048x768xf32, #tpu.memory_space<vmem>>, %arg5: memref<80x768xf32, #tpu.memory_space<vmem>>) attributes {dimension_semantics = [#tpu.dimension_semantics<arbitrary>], iteration_bounds = array<i64: 64>, scalar_prefetch = 0 : i64, scratch_operands = 0 : i64, tpu.core_type = #tpu.core_type<tc>, window_params = [{pipeline_mode = #tpu.pipeline_mode<synchronous>, transform_indices = @transform_0, window_bounds = array<i64: 1, 4096>}, {pipeline_mode = #tpu.pipeline_mode<synchronous>, transform_indices = @transform_1, window_bounds = array<i64: 4096, 768>}, {transform_indices = @transform_2, window_bounds = array<i64: 1, 768, 2048>}, {transform_indices = @transform_3, window_bounds = array<i64: 1, 2048, 768>}, {transform_indices = @transform_4, window_bounds = array<i64: 80, 768>}]} {
    %mul3A = arith.constant 80 : i32
    %mul3A_0 = arith.muli %arg0, %mul3A : i32
    %iota3A = tpu.iota {dimensions = array<i32: 0>} : vector<80x1xi32>
    %add3A = vector.broadcast %mul3A_0 : i32 to vector<80x1xi32>
    %add3A_1 = arith.addi %add3A, %iota3A : vector<80x1xi32>
    %get3A = arith.constant 0 : index
    %get3A_2 = arith.constant 0 : index
    %get3A_3 = vector.load %arg1[%get3A, %get3A_2] : memref<1x4096xi32, #tpu.memory_space<vmem>>, vector<1x4096xi32>
    %eq3A = vector.broadcast %get3A_3 : vector<1x4096xi32> to vector<80x4096xi32>
    %eq3A_4 = vector.broadcast %add3A_1 : vector<80x1xi32> to vector<80x4096xi32>
    %eq3A_5 = arith.cmpi eq, %eq3A, %eq3A_4 : vector<80x4096xi32>
    %convert_element_type3A = arith.extui %eq3A_5 : vector<80x4096xi1> to vector<80x4096xi32>
    %convert_element_type3A_6 = arith.sitofp %convert_element_type3A : vector<80x4096xi32> to vector<80x4096xf32>
    %get3A_7 = arith.constant 0 : index
    %get3A_8 = arith.constant 0 : index
    %get3A_9 = vector.load %arg2[%get3A_7, %get3A_8] : memref<4096x768xf32, #tpu.memory_space<vmem>>, vector<4096x768xf32>
    %dot_general3A = arith.constant dense<0.000000e+00> : vector<80x768xf32>
    %dot_general3A_10 = tpu.matmul %convert_element_type3A_6, %get3A_9, %dot_general3A {dimension_numbers = #tpu.dot_dimension_numbers<[1], [0], [0], [1], [0, 0, 1, 1], [], []>, transpose_lhs_hint = false} : vector<80x4096xf32>, vector<4096x768xf32>, vector<80x768xf32> -> vector<80x768xf32>
    %get3A_11 = arith.constant 0 : index
    %get3A_12 = arith.constant 0 : index
    %get3A_13 = arith.constant 0 : index
    %get3A_14 = vector.load %arg3[%get3A_11, %get3A_12, %get3A_13] : memref<1x768x2048xf32, #tpu.memory_space<vmem>>, vector<1x768x2048xf32>
    %get3A_15 = vector.shape_cast %get3A_14 : vector<1x768x2048xf32> to vector<768x2048xf32>
    %dot_general3A_16 = arith.constant dense<0.000000e+00> : vector<80x2048xf32>
    %dot_general3A_17 = tpu.matmul %dot_general3A_10, %get3A_15, %dot_general3A_16 {dimension_numbers = #tpu.dot_dimension_numbers<[1], [0], [0], [1], [0, 0, 1, 1], [], []>, transpose_lhs_hint = false} : vector<80x768xf32>, vector<768x2048xf32>, vector<80x2048xf32> -> vector<80x2048xf32>
    %max3A = arith.constant 0.000000e+00 : f32
    %max3A_18 = vector.broadcast %max3A : f32 to vector<80x2048xf32>
    %max3A_19 = arith.maximumf %dot_general3A_17, %max3A_18 : vector<80x2048xf32>
    %get3A_20 = arith.constant 0 : index
    %get3A_21 = arith.constant 0 : index
    %get3A_22 = arith.constant 0 : index
    %get3A_23 = vector.load %arg4[%get3A_20, %get3A_21, %get3A_22] : memref<1x2048x768xf32, #tpu.memory_space<vmem>>, vector<1x2048x768xf32>
    %get3A_24 = vector.shape_cast %get3A_23 : vector<1x2048x768xf32> to vector<2048x768xf32>
    %dot_general3A_25 = arith.constant dense<0.000000e+00> : vector<80x768xf32>
    %dot_general3A_26 = tpu.matmul %max3A_19, %get3A_24, %dot_general3A_25 {dimension_numbers = #tpu.dot_dimension_numbers<[1], [0], [0], [1], [0, 0, 1, 1], [], []>, transpose_lhs_hint = false} : vector<80x2048xf32>, vector<2048x768xf32>, vector<80x768xf32> -> vector<80x768xf32>
    %swap3A = arith.constant 0 : index
    %swap3A_27 = arith.constant 0 : index
    %swap3A_28 = vector.load %arg5[%swap3A, %swap3A_27] : memref<80x768xf32, #tpu.memory_space<vmem>>, vector<80x768xf32>
    tpu.vector_store %arg5[%swap3A, %swap3A_27], %dot_general3A_26 {strides = array<i32>} : memref<80x768xf32, #tpu.memory_space<vmem>>, vector<80x768xf32>,
    return
  }
  func.func @transform_0(%arg0: i32) -> (i32, i32) {
    %c0_i32 = arith.constant 0 : i32
    %c0_i32_0 = arith.constant 0 : i32
    %c0_i32_1 = arith.constant 0 : i32
    return %c0_i32, %c0_i32_0 : i32, i32
  }
  func.func @transform_1(%arg0: i32) -> (i32, i32) {
    %c0_i32 = arith.constant 0 : i32
    %c0_i32_0 = arith.constant 0 : i32
    %c0_i32_1 = arith.constant 0 : i32
    return %c0_i32, %c0_i32_0 : i32, i32
  }
  func.func @transform_2(%arg0: i32) -> (i32, i32, i32) {
    %c0_i32 = arith.constant 0 : i32
    %c0_i32_0 = arith.constant 0 : i32
    %c0_i32_1 = arith.constant 0 : i32
    return %arg0, %c0_i32, %c0_i32_0 : i32, i32, i32
  }
  func.func @transform_3(%arg0: i32) -> (i32, i32, i32) {
    %c0_i32 = arith.constant 0 : i32
    %c0_i32_0 = arith.constant 0 : i32
    %c0_i32_1 = arith.constant 0 : i32
    return %arg0, %c0_i32, %c0_i32_0 : i32, i32, i32
  }
  func.func @transform_4(%arg0: i32) -> (i32, i32) {
    %c0_i32 = arith.constant 0 : i32
    %c0_i32_0 = arith.constant 0 : i32
    return %arg0, %c0_i32 : i32, i32
  }
}

module attributes {stable_mosaic.version = 14 : i64} {
  func.func @_combine_body(%arg0: i32, %arg1: memref<512x768xf32, #tpu.memory_space<vmem>>, %arg2: memref<512x768xf32, #tpu.memory_space<vmem>>, %arg3: memref<512x1xi32, #tpu.memory_space<vmem>>, %arg4: memref<512x1xf32, #tpu.memory_space<vmem>>, %arg5: memref<512x768xf32, #tpu.memory_space<vmem>>) attributes {dimension_semantics = [#tpu.dimension_semantics<arbitrary>], iteration_bounds = array<i64: 8>, scalar_prefetch = 0 : i64, scratch_operands = 0 : i64, tpu.core_type = #tpu.core_type<tc>, window_params = [{transform_indices = @transform_0, window_bounds = array<i64: 512, 768>}, {transform_indices = @transform_1, window_bounds = array<i64: 512, 768>}, {transform_indices = @transform_2, window_bounds = array<i64: 512, 1>}, {transform_indices = @transform_3, window_bounds = array<i64: 512, 1>}, {transform_indices = @transform_4, window_bounds = array<i64: 512, 768>}]} {
    %get3A = arith.constant 0 : index
    %get3A_0 = arith.constant 0 : index
    %get3A_1 = vector.load %arg3[%get3A, %get3A_0] : memref<512x1xi32, #tpu.memory_space<vmem>>, vector<512x1xi32>
    %ne3A = arith.constant 5120 : i32
    %ne3A_2 = vector.broadcast %ne3A : i32 to vector<512x1xi32>
    %ne3A_3 = arith.cmpi ne, %get3A_1, %ne3A_2 : vector<512x1xi32>
    %get3A_4 = arith.constant 0 : index
    %get3A_5 = arith.constant 0 : index
    %get3A_6 = vector.load %arg1[%get3A_4, %get3A_5] : memref<512x768xf32, #tpu.memory_space<vmem>>, vector<512x768xf32>
    %get3A_7 = arith.constant 0 : index
    %get3A_8 = arith.constant 0 : index
    %get3A_9 = vector.load %arg2[%get3A_7, %get3A_8] : memref<512x768xf32, #tpu.memory_space<vmem>>, vector<512x768xf32>
    %broadcast_in_dim3A = vector.shape_cast %ne3A_3 : vector<512x1xi1> to vector<512x1xi1>
    %broadcast_in_dim3A_10 = vector.broadcast %broadcast_in_dim3A : vector<512x1xi1> to vector<512x768xi1>
    %select_n3A = arith.select %broadcast_in_dim3A_10, %get3A_6, %get3A_9 : vector<512x768xi1>, vector<512x768xf32>
    %get3A_11 = arith.constant 0 : index
    %get3A_12 = arith.constant 0 : index
    %get3A_13 = vector.load %arg4[%get3A_11, %get3A_12] : memref<512x1xf32, #tpu.memory_space<vmem>>, vector<512x1xf32>
    %mul3A = vector.broadcast %get3A_13 : vector<512x1xf32> to vector<512x768xf32>
    %mul3A_14 = arith.mulf %select_n3A, %mul3A : vector<512x768xf32>
    %swap3A = arith.constant 0 : index
    %swap3A_15 = arith.constant 0 : index
    %swap3A_16 = vector.load %arg5[%swap3A, %swap3A_15] : memref<512x768xf32, #tpu.memory_space<vmem>>, vector<512x768xf32>
    tpu.vector_store %arg5[%swap3A, %swap3A_15], %mul3A_14 {strides = array<i32>} : memref<512x768xf32, #tpu.memory_space<vmem>>, vector<512x768xf32>,
    return
  }
  func.func @transform_0(%arg0: i32) -> (i32, i32) {
    %c0_i32 = arith.constant 0 : i32
    %c0_i32_0 = arith.constant 0 : i32
    return %arg0, %c0_i32 : i32, i32
  }
  func.func @transform_1(%arg0: i32) -> (i32, i32) {
    %c0_i32 = arith.constant 0 : i32
    %c0_i32_0 = arith.constant 0 : i32
    return %arg0, %c0_i32 : i32, i32
  }
  func.func @transform_2(%arg0: i32) -> (i32, i32) {
    %c0_i32 = arith.constant 0 : i32
    %c0_i32_0 = arith.constant 0 : i32
    return %arg0, %c0_i32 : i32, i32
  }
  func.func @transform_3(%arg0: i32) -> (i32, i32) {
    %c0_i32 = arith.constant 0 : i32
    %c0_i32_0 = arith.constant 0 : i32
    return %arg0, %c0_i32 : i32, i32
  }
  func.func @transform_4(%arg0: i32) -> (i32, i32) {
    %c0_i32 = arith.constant 0 : i32
    %c0_i32_0 = arith.constant 0 : i32
    return %arg0, %c0_i32 : i32, i32
  }
}

</mosaic_0001>

<sc_bundles>
// kernel: kernel.6.cloned.1.call-start
scs
__scs_entry_jumppad:
0x0: {  	(pc) =	sbr.rel $0x88, $3  }
0x1: {  	(tag) =	ssettag $0x0;
	lr =	simm.s32 $0x1  }
0x2: {  	[smem:$0x3F9D] =	sst lr;
	_ =	strace $0xD0000000  }
0x3: {  	_ = 	snop  }
0x4: {  	_ = 	snop  }
0x5: {  	_ = 	snop  }
0x6: {  	_ = 	snop  }
0x7: {  	_ = 	snop  }
__scs_overlays_trampoline_lowered:
0x8: {  	[smem:$0x3FAC] =	sst s0  }
0x9: {  	[smem:$0x3FAD] =	sst s1  }
0xa: {  	[smem:$0x3FAE] =	sst s2  }
0xb: {  	[smem:$0x3FAF] =	sst s3  }
0xc: {  	[smem:$0x3FB0] =	sst s4  }
0xd: {  	[smem:$0x3FB1] =	sst s5  }
0xe: {  	[smem:$0x3FB2] =	sst s6  }
0xf: {  	[smem:$0x3FB3] =	sst s7  }
0x10: {  	[smem:$0x3FB4] =	sst s8  }
0x11: {  	[smem:$0x3FB5] =	sst s9;
	s0 =	simm.s32 @!p0 $0x0  }
0x12: {  	s1 =	sld [smem:$0x3F9B];
	s0 =	simm.s32 @p0 $0x1  }
0x13: {  	[smem:$0x3FB6] =	sst s0;
	s0 =	simm.s32 @!p1 $0x0  }
0x14: {  	s2 =	sld [smem:$0x3F9A];
	s0 =	simm.s32 @p1 $0x1  }
0x15: {  	[smem:$0x3FB7] =	sst s0;
	s0 =	simm.s32 @!p2 $0x0  }
0x16: {  	s3 =	sld [smem:$0x3FDB];
	s0 =	simm.s32 @p2 $0x1  }
0x17: {  	s4 =	simm.s32 $0x1BF5;
	[smem:$0x3FB9] =	sst s0  }
0x18: {  	s0 =	sld [smem:$0x3F9C];
	_ =	swait.ge [sflag:s4], $0x0  }
0x19: {  	s7 =	sld [smem:$0x3F9D]  }
0x1a: {  	s8 =	sadd.s32 $0xFFFFE003, lr  }
0x1b: {  	s9 =	sadd.s32 $0xFFFFFEF7, lr;
	s5 =	simm.s32 $0xFFFFFFFF;
	p2 =	slt.u32 s8, $0xFFFFF086  }
0x1c: {  	p1 =	slt.u32 s9, $0xF7A;
	s5 =	simm.s32 @!p2 $0x0  }
0x1d: {  	s5 =	simm.s32 @p1 $0x1;
	p0 =	seq.s32 s7, s2  }
0x1e: {  	s7 =	smul.u32 @!p0 $0xF7A, s2;
	p2 =	seq.s32 @!p0 s5, $0x0  }
0x1f: {  	s9 =	smul.u32 $0xF7A, s1;
	s8 =	simm.s32 @!p0 $0x1BF5;
	p2 =	por !p2, p0  }
0x20: {  	[sflag:s8] =	ssyncset.s32 @!p0 $0xFFFFF086;
	s6 =	sadd.s32 @!p0 s3, s7;
	s7 =	simm.s32 @!p0 $0x108  }
0x21: {  	s3 =	sadd.s32 s3, s9;
	s6 =	sadd.s32 @!p0 $0x88, s6;
	s7 =	simm.s32 @p2 $0x1082  }
0x22: {  	[simem:s7], [sflag:s8] =	dma.local @!p0 [hbm:s6], $0xF7A  }
0x23: {  	s9 =	sor.u32 $0xD0000000, s2;
	s6 =	simm.s32 $0x108;
	_ =	swait.ge @!p0 [sflag:s8], $0x0  }
0x24: {  	s3 =	sadd.s32 $0x88, s3;
	s6 =	simm.s32 @!p1 $0x1082;
	[sflag:s4] =	ssyncset.s32 $0xFFFFF086  }
0x25: {  	[simem:s6], [sflag:s4] =	dma.local [hbm:s3], $0xF7A  }
0x26: {  	[smem:$0x3F9D] =	sst s1;
	(tag) =	ssettag s2;
	_ =	strace s9  }
0x27: {  	s1 =	sld [smem:$0x3FAD]  }
0x28: {  	s2 =	sld [smem:$0x3FAE]  }
0x29: {  	s4 =	sld [smem:$0x3FB0]  }
0x2a: {  	p0 =	seq.s32 s5, $0x0;
	s5 =	sld [smem:$0x3FB1]  }
0x2b: {  	s6 =	sld [smem:$0x3FB2]  }
0x2c: {  	s7 =	sld [smem:$0x3FB3]  }
0x2d: {  	s3 =	simm.s32 $0x108;
	s8 =	sld [smem:$0x3FB4]  }
0x2e: {  	s3 =	simm.s32 @!p0 $0x1082;
	s9 =	sld [smem:$0x3FB5]  }
0x2f: {  	lr =	sadd.s32 s0, s3;
	s0 =	sld [smem:$0x3FAC]  }
0x30: {  	s3 =	sld [smem:$0x3FAF]  }
0x31: {  	[smem:$0x3FB8] =	sst s10  }
0x32: {  	s10 =	sld [smem:$0x3FB6];
	_ =	sdelay $0x3  }
0x33: {  	p0 =	seq.s32 s10, $0x1;
	s10 =	sld [smem:$0x3FB8];
	_ =	sdelay $0x3  }
0x34: {  	[smem:$0x3FB8] =	sst s10  }
0x35: {  	s10 =	sld [smem:$0x3FB7];
	_ =	sdelay $0x3  }
0x36: {  	p1 =	seq.s32 s10, $0x1;
	s10 =	sld [smem:$0x3FB8];
	_ =	sdelay $0x3  }
0x37: {  	[smem:$0x3FB8] =	sst s10  }
0x38: {  	s10 =	sld [smem:$0x3FB9]  }
0x39: {  	_ = 	snop;
	(pc) =	sbr.ind lr, $3  }
0x3a: {  	_ = 	snop  }
0x3b: {  	_ = 	snop  }
0x3c: {  	p2 =	seq.s32 s10, $0x1;
	s10 =	sld [smem:$0x3FB8]  }
0x3d: {  	_ =	shalt  }
0x3e: {  	_ =	shalt  }
0x3f: {  	_ =	shalt  }
0x40: {  	_ =	shalt  }
0x41: {  	_ =	shalt  }
0x42: {  	_ =	shalt  }
0x43: {  	_ =	shalt  }
0x44: {  	_ =	shalt  }
0x45: {  	_ =	shalt  }
0x46: {  	_ =	shalt  }
0x47: {  	_ =	shalt  }
0x48: {  	_ =	shalt  }
0x49: {  	_ =	shalt  }
0x4a: {  	_ =	shalt  }
0x4b: {  	_ =	shalt  }
0x4c: {  	_ =	shalt  }
0x4d: {  	_ =	shalt  }
0x4e: {  	_ =	shalt  }
0x4f: {  	_ =	shalt  }
0x50: {  	_ =	shalt  }
0x51: {  	_ =	shalt  }
0x52: {  	_ =	shalt  }
0x53: {  	_ =	shalt  }
0x54: {  	_ =	shalt  }
0x55: {  	_ =	shalt  }
0x56: {  	_ =	shalt  }
0x57: {  	_ =	shalt  }
0x58: {  	_ =	shalt  }
0x59: {  	_ =	shalt  }
0x5a: {  	_ =	shalt  }
0x5b: {  	_ =	shalt  }
0x5c: {  	_ =	shalt  }
0x5d: {  	_ =	shalt  }
0x5e: {  	_ =	shalt  }
0x5f: {  	_ =	shalt  }
0x60: {  	_ =	shalt  }
0x61: {  	_ =	shalt  }
0x62: {  	_ =	shalt  }
0x63: {  	_ =	shalt  }
0x64: {  	_ =	shalt  }
0x65: {  	_ =	shalt  }
0x66: {  	_ =	shalt  }
0x67: {  	_ =	shalt  }
0x68: {  	_ =	shalt  }
0x69: {  	_ =	shalt  }
0x6a: {  	_ =	shalt  }
0x6b: {  	_ =	shalt  }
0x6c: {  	_ =	shalt  }
0x6d: {  	_ =	shalt  }
0x6e: {  	_ =	shalt  }
0x6f: {  	_ =	shalt  }
0x70: {  	_ =	shalt  }
0x71: {  	_ =	shalt  }
0x72: {  	_ =	shalt  }
0x73: {  	_ =	shalt  }
0x74: {  	_ =	shalt  }
0x75: {  	_ =	shalt  }
0x76: {  	_ =	shalt  }
0x77: {  	_ =	shalt  }
0x78: {  	_ =	shalt  }
0x79: {  	_ =	shalt  }
0x7a: {  	_ =	shalt  }
0x7b: {  	_ =	shalt  }
0x7c: {  	_ =	shalt  }
0x7d: {  	_ =	shalt  }
0x7e: {  	_ =	shalt  }
0x7f: {  	_ =	shalt  }
0x80: {  	_ =	shalt  }
0x81: {  	_ =	shalt  }
0x82: {  	_ =	shalt  }
0x83: {  	_ =	shalt  }
0x84: {  	_ =	shalt  }
0x85: {  	_ =	shalt  }
0x86: {  	_ =	shalt  }
0x87: {  	_ =	shalt  }
.Lfunc_end0:
.L_simem_size_0:
called_computation_lowered:
.L_overlay_start_0:
0x88: {  	s2 =	sld [smem:$0x3FD9]  }
0x89: {  	s3 =	sld [smem:$0x3FFE];
	_ =	sdelay $0x1  }
0x8a: {  	s1 =	srdreg.scid  }
0x8b: {  	s0 =	sand.u32 $0x1, s1  }
0x8c: {  	s14 =	sshll.u32 s0, $0xA;
	s2 =	sadd.s32 s3, s2  }
0x8d: {  	s2 =	sadd.s32 s2, s14  }
0x8e: {  	[smem:$0x3FC4] =	sst s2  }
0x8f: {  	_ = 	snop  }
0x90: {  	s2 =	sld [smem:$0x3FD0];
	_ =	sdelay $0x2  }
0x91: {  	s15 =	simm.s32 $0xA;
	s4 =	simm.s32 $0x10  }
0x92: {  	[smem:s4], [sflag:s15] =	dma.local [hbm:s2], $0x1  }
0x93: {  	_ =	swait.eq [sflag:s15], $0x1  }
0x94: {  	[sflag:s15] =	ssyncset.done $0x0  }
0x95: {  	[sflag:s15] =	ssyncadd.s32 $0xFFFFFFFF  }
0x96: {  	s16 =	sld [smem:$0x10];
	(tm) =	ssettm $0x1  }
0x97: {  	s17 =	sld [smem:$0x3FFB];
	_ =	sdelay $0x3  }
0x98: {  	_ =	strace s17  }
0x99: {  	s3 =	sld [smem:$0x3FFC];
	_ =	sdelay $0x3  }
0x9a: {  	_ =	strace s3  }
0x9b: {  	s3 =	sld [smem:$0x3FFD];
	_ =	sdelay $0x3  }
0x9c: {  	_ =	strace s3  }
0x9d: {  	_ =	strace $0x8FFFFFFF  }
0x9e: {  	s18 =	sld [smem:$0x3FDB];
	_ =	sdelay $0x1  }
0x9f: {  	s19 =	simm.s32 $_scs_section_size  }
0xa0: {  	s5 =	simm.s32 $_size__tile_overlayer_lowered;
	s6 =	simm.s32 $_tile_overlayer_lowered  }
0xa1: {  	s22 =	simm.s32 $0x1BFF;
	s21 =	sshll.u32 s6, $0x1;
	s3 =	sadd.s32 s19, s18  }
0xa2: {  	s7 =	simm.s32 $0x0;
	s20 =	sshll.u32 s5, $0x1;
	s5 =	sadd.s32 s21, s3  }
0xa3: {  	[timem:s7], [sflag:s22] =	dma.local [hbm:s5], s20  }
0xa4: {  	_ =	swait.ge [sflag:s22], s20  }
0xa5: {  	s4 =	ssub.s32 $0x0, s20;
	[sflag:s22] =	ssyncset.done $0x0  }
0xa6: {  	[sflag:s22] =	ssyncadd.s32 s4;
	_ =	sdelay $0x1  }
0xa7: {  	s23 =	simm.s32 $0x1B8B  }
0xa8: {  	_ =	swait.ge [sflag:s23], $0x1  }
0xa9: {  	[sflag:s23] =	ssyncset.done $0x0  }
0xaa: {  	s25 =	simm.s32 $0x1B8E;
	s24 =	sld [smem:$0x3FFE];
	[sflag:s23] =	ssyncadd.s32 $0xFFFFFFFF  }
0xab: {  	s26 =	simm.s32 $execute0_lowered;
	[smem:$0x3FD2] =	sst s25  }
0xac: {  	s5 =	sshll.u32 s26, $0x1;
	_ =	strace $0x80000046;
	[dreg:$0x1] =	wrdreg $0xFFFFFFFF  }
0xad: {  	s28 =	simm.s32 $_size_execute0_lowered;
	s3 =	sadd.s32 s3, s5;
	[dreg:$0x0] =	wrdreg $0x0  }
0xae: {  	s5 =	sshll.u32 s28, $0x1;
	[dreg:$0x2] =	wrdreg s3  }
0xaf: {  	[dreg:$0x3] =	wrdreg s5  }
0xb0: {  	[dreg:$0x4] =	wrdreg $0xC0  }
0xb1: {  	_ =	task [dreg:s7], $0x5FFFF  }
0xb2: {  	[dreg:$0x1] =	wrdreg $0xFFFFFFFF  }
0xb3: {  	[dreg:$0x0] =	wrdreg $0x60  }
0xb4: {  	[dreg:$0x2] =	wrdreg s24  }
0xb5: {  	[dreg:$0x3] =	wrdreg s16  }
0xb6: {  	[dreg:$0x4] =	wrdreg $0x9  }
0xb7: {  	_ =	task.clear_ibuf [dreg:s7], $0x5FFFF;
	_ =	strace $0x90000046  }
0xb8: {  	s29 =	simm.s32 $0x9;
	_ =	strace $0x80000048  }
0xb9: {  	_ =	swait.ge [sflag:s29], $0x1  }
0xba: {  	[sflag:s29] =	ssyncadd.s32 $0xFFFFFFFF  }
0xbb: {  	_ =	strace $0x90000048  }
0xbc: {  	_ =	sfence  }
0xbd: {  	s30 =	sld [smem:$0x0];
	_ =	sdelay $0x2  }
0xbe: {  	s31 =	sshll.u32 s1, $0xD;
	s1 =	sshrl.u32 s1, $0x2  }
0xbf: {  	s3 =	sand.u32 $0x4000, s31;
	s1 =	sadd.s32 s1, s30  }
0xc0: {  	s0 =	sor.u32 s3, s0;
	s1 =	sshll.u32 s1, $0x11  }
0xc1: {  	s0 =	sor.u32 s1, s0  }
0xc2: {  	s0 =	sadd.s32 $0x8F2B, s0  }
0xc3: {  	[sflag:s0] =	ssyncadd.remote.s32 $0x1  }
0xc4: {  	_ =	sfence.sel $0xFFFF  }
0xc5: {  	[dreg:$0x0] =	wrdreg $0xFFFFFFFF;
	(pc) =	sbr.abs _section_cstart, $3  }
0xc6: {  	[dreg:$0x1] =	wrdreg $0xFFFFFFFF  }
0xc7: {  	_ =	task.clear_ibuf [dreg:s7], $0x2FFFF;
	_ =	strace $0x9FFFFFFF  }
0xc8: {  	(tm) =	ssettm $0x7FFFFFFF  }
0xc9: {  	_ =	shalt  }
tec
execute0_lowered:
.L_overlay_start_1:
0x0: {  	(tag) =	ssettag $0x1  }
0x1: {  	s0 =	rddreg [dreg:$0x0]  }
0x2: {  	s3 =	rddreg [dreg:$0x1];
	s2 =	simm.s32 $0x0  }
0x3: {  	s20 =	simm.s32 $0x80;
	[smem:$0x7FF] =	sst s2  }
0x4: {  	s21 =	simm.s32 $0x900;
	_ =	strace $0x80000047;
	[dreg:$0x7] =	wrdreg s20  }
0x5: {  	s22 =	simm.s32 $0x1100;
	[dreg:$0x8] =	wrdreg s21  }
0x6: {  	s23 =	simm.s32 $0x1900;
	[dreg:$0x9] =	wrdreg s22  }
0x7: {  	s24 =	simm.s32 $0x2100;
	[dreg:$0xa] =	wrdreg s23  }
0x8: {  	s25 =	simm.s32 $0x2900;
	[dreg:$0xb] =	wrdreg s24  }
0x9: {  	s1 =	stileid.u32;
	s26 =	simm.s32 $0x3100;
	[dreg:$0xc] =	wrdreg s25  }
0xa: {  	s5 =	sshll.u32 s1, $0x5;
	s1 =	simm.s32 $0x3900;
	[dreg:$0xd] =	wrdreg s26  }
0xb: {  	s4 =	srdreg.scid;
	s9 =	simm.s32 $0x6100;
	[dreg:$0xe] =	wrdreg s1  }
0xc: {  	s10 =	simm.s32 $0x6900;
	s11 =	simm.s32 $0x7100;
	[dreg:$0x13] =	wrdreg s9  }
0xd: {  	s12 =	simm.s32 $0x7900;
	s13 =	simm.s32 $0x8100;
	[dreg:$0x14] =	wrdreg s10  }
0xe: {  	s14 =	simm.s32 $0x8900;
	s15 =	simm.s32 $0x9100;
	[dreg:$0x15] =	wrdreg s11  }
0xf: {  	s16 =	simm.s32 $0x9900;
	s17 =	simm.s32 $0xA100;
	[dreg:$0x16] =	wrdreg s12  }
0x10: {  	s28 =	simm.s32 $0x17900;
	s29 =	simm.s32 $0x1;
	[dreg:$0x17] =	wrdreg s13  }
0x11: {  	s30 =	simm.s32 $0x2;
	s31 =	simm.s32 $0x3;
	[dreg:$0x18] =	wrdreg s14  }
0x12: {  	s4 =	sand.u32 $0x1, s4;
	s7 =	sadd.s32 $0x41400, s0;
	[dreg:$0x19] =	wrdreg s15  }
0x13: {  	s6 =	sshll.u32 s4, $0x4;
	[dreg:$0x1a] =	wrdreg s16;
	s4 =	ssub.s32 $0x2, s4  }
0x14: {  	[dreg:$0x1b] =	wrdreg s17;
	s20 =	simm.s32 $0xB100;
	s21 =	simm.s32 $0xB900  }
0x15: {  	s22 =	simm.s32 $0xC900;
	s23 =	simm.s32 $0xD100;
	[dreg:$0x1d] =	wrdreg s20  }
0x16: {  	s24 =	simm.s32 $0xD900;
	s25 =	simm.s32 $0xE100;
	[dreg:$0x1e] =	wrdreg s21  }
0x17: {  	s26 =	simm.s32 $0xE900;
	s9 =	simm.s32 $0xC100;
	[dreg:$0x1f] =	wrdreg s22  }
0x18: {  	s11 =	simm.s32 $0xF900;
	s12 =	simm.s32 $0x10100;
	[smem:$0x7FA] =	sst s23  }
0x19: {  	s13 =	simm.s32 $0x10900;
	s14 =	simm.s32 $0x11100;
	[smem:$0x7FB] =	sst s24  }
0x1a: {  	s15 =	simm.s32 $0x11900;
	s16 =	simm.s32 $0x12100;
	[smem:$0x7FC] =	sst s25  }
0x1b: {  	s17 =	simm.s32 $0x12900;
	s5 =	sor.u32 s6, s5;
	[smem:$0x7FD] =	sst s26  }
0x1c: {  	s20 =	simm.s32 $0x14100;
	s21 =	simm.s32 $0x14900;
	s22 =	simm.s32 $0x15100  }
0x1d: {  	s23 =	simm.s32 $0x15900;
	s6 =	sadd.s32 s7, s5;
	s8 =	sor.u32 $0x8, s5  }
0x1e: {  	s24 =	simm.s32 $0x16100;
	[dreg:$0x3] =	wrdreg s6;
	s18 =	sadd.s32 s7, s8  }
0x1f: {  	s25 =	simm.s32 $0x16900;
	s6 =	simm.s32 $0x4900;
	[dreg:$0x4] =	wrdreg s18  }
0x20: {  	s5 =	smul.u32 $0x300, s5;
	s7 =	simm.s32 $0x5100;
	[dreg:$0x10] =	wrdreg s6  }
0x21: {  	s19 =	smul.u32 $0x300, s8;
	s8 =	simm.s32 $0x5900;
	[dreg:$0x11] =	wrdreg s7  }
0x22: {  	s26 =	simm.s32 $0x17100;
	s5 =	sadd.s32 s3, s5;
	[dreg:$0x12] =	wrdreg s8  }
0x23: {  	s18 =	simm.s32 $0xA900;
	s7 =	simm.s32 $0x5;
	[dreg:$0x5] =	wrdreg s5  }
0x24: {  	s8 =	simm.s32 $0x100;
	s3 =	sadd.s32 s3, s19;
	[dreg:$0x1c] =	wrdreg s18  }
0x25: {  	s5 =	simm.s32 $0x4100;
	s19 =	sshrl.u32 s4, $0x1;
	[dreg:$0x6] =	wrdreg s3  }
0x26: {  	v2 =	vlaneseq.u32;
	s18 =	simm.s32 $0x13100;
	[dreg:$0xf] =	wrdreg s5;
	s3 =	sadd.s32 $0x41600, s0  }
0x27: {  	vm0 =	vmmov $0xffff;
	v1 =	vshrl.u32 v2, $0x3;
	s6 =	ssub.s32 s4, s19;
	s4 =	sadd.s32 $0x41700, s0;
	s5 =	sadd.s32 $0x41800, s0  }
0x28: {  	v0 =	vand.u32 $0x7, v2;
	v2 =	vor.u32 $0x8, v2;
	v1 =	vmul.u32 $0x8, v1;
	s19 =	simm.s32 $0x13900;
	s0 =	simm.s32 $0x4;
	s6 =	smax.u32 s6, $0x1  }
.LBB2_1:
0x29: {  	s1 =	rddreg [dreg:$0x3]  }
0x2a: {  	[tilespmem:s2], [sflag:$0x5] =	stream.linear.gather [hbm4b:s1+s2], $0x40, $0x38;
	[tilespmem:$0x18100] =	vst v63  }
0x2b: {  	_ =	swait.ge [sflag:s7], $0x40  }
0x2c: {  	s1 =	rddreg [dreg:$0x4];
	[sflag:s7] =	ssyncset.done $0x0  }
0x2d: {  	s10 =	rddreg [dreg:$0x7];
	[sflag:s7] =	ssyncadd.s32 $0xFFFFFFC0  }
0x2e: {  	[tilespmem:s10], [sflag:$0x5] =	stream.linear.gather [hbm4b:s1+s2], $0x40, $0x38;
	[tilespmem:$0x18100] =	vst v63  }
0x2f: {  	_ =	swait.ge [sflag:s7], $0x40  }
0x30: {  	[sflag:s7] =	ssyncset.done $0x0  }
0x31: {  	[sflag:s7] =	ssyncadd.s32 $0xFFFFFFC0  }
0x32: {  	v3 =	vld [tilespmem:$0x0];
	_ =	sdelay $0x4  }
0x33: {  	v4 =	vshrl.u32 v3, $0x3  }
0x34: {  	v4 =	vmul.u32 $0x30, v4  }
0x35: {  	v3 =	vand.u32 $0x7, v3  }
0x36: {  	v3 =	vor.u32 v3, v4  }
0x37: {  	v4 =	vperm.xlane v3, v0;
	_ =	sdelay $0x1  }
0x38: {  	v4 =	vadd.s32 v1, v4;
	_ =	sdelay $0x3  }
0x39: {  	v3 =	vperm.xlane v3, v2  }
0x3a: {  	[tilespmem:s8], [sflag:$0x1] =	stream.indirect_vreg.gather [hbm4b:s3+s2], $0x80, v4, vm0, $0xb8;
	[tilespmem:$0x18100] =	vst v63  }
0x3b: {  	s1 =	rddreg [dreg:$0x8];
	v3 =	vadd.s32 v1, v3  }
0x3c: {  	[tilespmem:s1], [sflag:$0x1] =	stream.indirect_vreg.gather [hbm4b:s4+s2], $0x80, v4, vm0, $0xb8;
	[tilespmem:$0x18100] =	vst v63  }
0x3d: {  	s10 =	rddreg [dreg:$0x9]  }
0x3e: {  	[tilespmem:s10], [sflag:$0x1] =	stream.indirect_vreg.gather [hbm4b:s5+s2], $0x80, v4, vm0, $0xb8;
	[tilespmem:$0x18100] =	vst v63  }
0x3f: {  	s1 =	rddreg [dreg:$0xa]  }
0x40: {  	[tilespmem:s1], [sflag:$0x1] =	stream.indirect_vreg.gather [hbm4b:s3+s2], $0x80, v3, vm0, $0xb8;
	[tilespmem:$0x18100] =	vst v63  }
0x41: {  	s10 =	rddreg [dreg:$0xb]  }
0x42: {  	[tilespmem:s10], [sflag:$0x1] =	stream.indirect_vreg.gather [hbm4b:s4+s2], $0x80, v3, vm0, $0xb8;
	[tilespmem:$0x18100] =	vst v63  }
0x43: {  	s1 =	rddreg [dreg:$0xc]  }
0x44: {  	[tilespmem:s1], [sflag:$0x1] =	stream.indirect_vreg.gather [hbm4b:s5+s2], $0x80, v3, vm0, $0xb8;
	[tilespmem:$0x18100] =	vst v63  }
0x45: {  	v3 =	vld [tilespmem:$0x10];
	_ =	sdelay $0x4  }
0x46: {  	v57 =	vshrl.u32 v3, $0x3  }
0x47: {  	v4 =	vmul.u32 $0x30, v57  }
0x48: {  	v3 =	vand.u32 $0x7, v3  }
0x49: {  	v3 =	vor.u32 v3, v4  }
0x4a: {  	v4 =	vperm.xlane v3, v0;
	_ =	sdelay $0x1  }
0x4b: {  	v4 =	vadd.s32 v1, v4;
	_ =	sdelay $0x3  }
0x4c: {  	s1 =	rddreg [dreg:$0xd];
	v3 =	vperm.xlane v3, v2  }
0x4d: {  	[tilespmem:s1], [sflag:$0x1] =	stream.indirect_vreg.gather [hbm4b:s3+s2], $0x80, v4, vm0, $0xb8;
	[tilespmem:$0x18100] =	vst v63  }
0x4e: {  	s10 =	rddreg [dreg:$0xe];
	v3 =	vadd.s32 v1, v3  }
0x4f: {  	[tilespmem:s10], [sflag:$0x1] =	stream.indirect_vreg.gather [hbm4b:s4+s2], $0x80, v4, vm0, $0xb8;
	[tilespmem:$0x18100] =	vst v63  }
0x50: {  	s1 =	rddreg [dreg:$0xf]  }
0x51: {  	[tilespmem:s1], [sflag:$0x1] =	stream.indirect_vreg.gather [hbm4b:s5+s2], $0x80, v4, vm0, $0xb8;
	[tilespmem:$0x18100] =	vst v63  }
0x52: {  	s10 =	rddreg [dreg:$0x10]  }
0x53: {  	[tilespmem:s10], [sflag:$0x1] =	stream.indirect_vreg.gather [hbm4b:s3+s2], $0x80, v3, vm0, $0xb8;
	[tilespmem:$0x18100] =	vst v63  }
0x54: {  	s1 =	rddreg [dreg:$0x11]  }
0x55: {  	[tilespmem:s1], [sflag:$0x1] =	stream.indirect_vreg.gather [hbm4b:s4+s2], $0x80, v3, vm0, $0xb8;
	[tilespmem:$0x18100] =	vst v63  }
0x56: {  	s10 =	rddreg [dreg:$0x12]  }
0x57: {  	[tilespmem:s10], [sflag:$0x1] =	stream.indirect_vreg.gather [hbm4b:s5+s2], $0x80, v3, vm0, $0xb8;
	[tilespmem:$0x18100] =	vst v63  }
0x58: {  	v3 =	vld [tilespmem:$0x20];
	_ =	sdelay $0x4  }
0x59: {  	v58 =	vshrl.u32 v3, $0x3  }
0x5a: {  	v4 =	vmul.u32 $0x30, v58  }
0x5b: {  	v3 =	vand.u32 $0x7, v3  }
0x5c: {  	v3 =	vor.u32 v3, v4  }
0x5d: {  	v4 =	vperm.xlane v3, v0;
	_ =	sdelay $0x1  }
0x5e: {  	v4 =	vadd.s32 v1, v4;
	_ =	sdelay $0x3  }
0x5f: {  	s1 =	rddreg [dreg:$0x13];
	v3 =	vperm.xlane v3, v2  }
0x60: {  	[tilespmem:s1], [sflag:$0x1] =	stream.indirect_vreg.gather [hbm4b:s3+s2], $0x80, v4, vm0, $0xb8;
	[tilespmem:$0x18100] =	vst v63  }
0x61: {  	s10 =	rddreg [dreg:$0x14];
	v3 =	vadd.s32 v1, v3  }
0x62: {  	[tilespmem:s10], [sflag:$0x1] =	stream.indirect_vreg.gather [hbm4b:s4+s2], $0x80, v4, vm0, $0xb8;
	[tilespmem:$0x18100] =	vst v63  }
0x63: {  	s1 =	rddreg [dreg:$0x15]  }
0x64: {  	[tilespmem:s1], [sflag:$0x1] =	stream.indirect_vreg.gather [hbm4b:s5+s2], $0x80, v4, vm0, $0xb8;
	[tilespmem:$0x18100] =	vst v63  }
0x65: {  	s10 =	rddreg [dreg:$0x16]  }
0x66: {  	[tilespmem:s10], [sflag:$0x1] =	stream.indirect_vreg.gather [hbm4b:s3+s2], $0x80, v3, vm0, $0xb8;
	[tilespmem:$0x18100] =	vst v63  }
0x67: {  	s1 =	rddreg [dreg:$0x17]  }
0x68: {  	[tilespmem:s1], [sflag:$0x1] =	stream.indirect_vreg.gather [hbm4b:s4+s2], $0x80, v3, vm0, $0xb8;
	[tilespmem:$0x18100] =	vst v63  }
0x69: {  	s10 =	rddreg [dreg:$0x18]  }
0x6a: {  	[tilespmem:s10], [sflag:$0x1] =	stream.indirect_vreg.gather [hbm4b:s5+s2], $0x80, v3, vm0, $0xb8;
	[tilespmem:$0x18100] =	vst v63  }
0x6b: {  	v3 =	vld [tilespmem:$0x30];
	_ =	sdelay $0x4  }
0x6c: {  	v59 =	vshrl.u32 v3, $0x3  }
0x6d: {  	v4 =	vmul.u32 $0x30, v59  }
0x6e: {  	v3 =	vand.u32 $0x7, v3  }
0x6f: {  	v3 =	vor.u32 v3, v4  }
0x70: {  	v4 =	vperm.xlane v3, v0;
	_ =	sdelay $0x1  }
0x71: {  	v4 =	vadd.s32 v1, v4;
	_ =	sdelay $0x3  }
0x72: {  	s1 =	rddreg [dreg:$0x19];
	v3 =	vperm.xlane v3, v2  }
0x73: {  	[tilespmem:s1], [sflag:$0x1] =	stream.indirect_vreg.gather [hbm4b:s3+s2], $0x80, v4, vm0, $0xb8;
	[tilespmem:$0x18100] =	vst v63  }
0x74: {  	s10 =	rddreg [dreg:$0x1a];
	v3 =	vadd.s32 v1, v3  }
0x75: {  	[tilespmem:s10], [sflag:$0x1] =	stream.indirect_vreg.gather [hbm4b:s4+s2], $0x80, v4, vm0, $0xb8;
	[tilespmem:$0x18100] =	vst v63  }
0x76: {  	s1 =	rddreg [dreg:$0x1b]  }
0x77: {  	[tilespmem:s1], [sflag:$0x1] =	stream.indirect_vreg.gather [hbm4b:s5+s2], $0x80, v4, vm0, $0xb8;
	[tilespmem:$0x18100] =	vst v63  }
0x78: {  	s10 =	rddreg [dreg:$0x1c]  }
0x79: {  	[tilespmem:s10], [sflag:$0x1] =	stream.indirect_vreg.gather [hbm4b:s3+s2], $0x80, v3, vm0, $0xb8;
	[tilespmem:$0x18100] =	vst v63  }
0x7a: {  	s1 =	rddreg [dreg:$0x1d]  }
0x7b: {  	[tilespmem:s1], [sflag:$0x1] =	stream.indirect_vreg.gather [hbm4b:s4+s2], $0x80, v3, vm0, $0xb8;
	[tilespmem:$0x18100] =	vst v63  }
0x7c: {  	s10 =	rddreg [dreg:$0x1e]  }
0x7d: {  	[tilespmem:s10], [sflag:$0x1] =	stream.indirect_vreg.gather [hbm4b:s5+s2], $0x80, v3, vm0, $0xb8;
	[tilespmem:$0x18100] =	vst v63  }
0x7e: {  	v3 =	vld [tilespmem:$0x80];
	_ =	sdelay $0x4  }
0x7f: {  	v60 =	vshrl.u32 v3, $0x3  }
0x80: {  	v4 =	vmul.u32 $0x30, v60  }
0x81: {  	v3 =	vand.u32 $0x7, v3  }
0x82: {  	v3 =	vor.u32 v3, v4  }
0x83: {  	v4 =	vperm.xlane v3, v0;
	_ =	sdelay $0x1  }
0x84: {  	v4 =	vadd.s32 v1, v4;
	_ =	sdelay $0x3  }
0x85: {  	s1 =	rddreg [dreg:$0x1f];
	v3 =	vperm.xlane v3, v2  }
0x86: {  	[tilespmem:s9], [sflag:$0x2] =	stream.indirect_vreg.gather [hbm4b:s3+s2], $0x80, v4, vm0, $0xb8;
	[tilespmem:$0x18100] =	vst v63  }
0x87: {  	s10 =	sld [smem:$0x7FA];
	v3 =	vadd.s32 v1, v3  }
0x88: {  	[tilespmem:s1], [sflag:$0x2] =	stream.indirect_vreg.gather [hbm4b:s4+s2], $0x80, v4, vm0, $0xb8;
	[tilespmem:$0x18100] =	vst v63  }
0x89: {  	s1 =	sld [smem:$0x7FB]  }
0x8a: {  	[tilespmem:s10], [sflag:$0x2] =	stream.indirect_vreg.gather [hbm4b:s5+s2], $0x80, v4, vm0, $0xb8;
	[tilespmem:$0x18100] =	vst v63  }
0x8b: {  	s10 =	sld [smem:$0x7FC]  }
0x8c: {  	[tilespmem:s1], [sflag:$0x2] =	stream.indirect_vreg.gather [hbm4b:s3+s2], $0x80, v3, vm0, $0xb8;
	[tilespmem:$0x18100] =	vst v63  }
0x8d: {  	s1 =	sld [smem:$0x7FD]  }
0x8e: {  	[tilespmem:s10], [sflag:$0x2] =	stream.indirect_vreg.gather [hbm4b:s4+s2], $0x80, v3, vm0, $0xb8;
	[tilespmem:$0x18100] =	vst v63  }
0x8f: {  	_ = 	snop  }
0x90: {  	[tilespmem:s1], [sflag:$0x2] =	stream.indirect_vreg.gather [hbm4b:s5+s2], $0x80, v3, vm0, $0xb8;
	[tilespmem:$0x18100] =	vst v63  }
0x91: {  	v3 =	vld [tilespmem:$0x90];
	_ =	sdelay $0x4  }
0x92: {  	v61 =	vshrl.u32 v3, $0x3  }
0x93: {  	v4 =	vmul.u32 $0x30, v61  }
0x94: {  	v3 =	vand.u32 $0x7, v3  }
0x95: {  	v3 =	vor.u32 v3, v4  }
0x96: {  	v4 =	vperm.xlane v3, v0;
	_ =	sdelay $0x1  }
0x97: {  	v4 =	vadd.s32 v1, v4;
	_ =	sdelay $0x3  }
0x98: {  	s10 =	simm.s32 $0xF100;
	v3 =	vperm.xlane v3, v2  }
0x99: {  	[tilespmem:s10], [sflag:$0x2] =	stream.indirect_vreg.gather [hbm4b:s3+s2], $0x80, v4, vm0, $0xb8;
	[tilespmem:$0x18100] =	vst v63  }
0x9a: {  	v3 =	vadd.s32 v1, v3  }
0x9b: {  	[tilespmem:s11], [sflag:$0x2] =	stream.indirect_vreg.gather [hbm4b:s4+s2], $0x80, v4, vm0, $0xb8;
	[tilespmem:$0x18100] =	vst v63  }
0x9c: {  	_ = 	snop  }
0x9d: {  	[tilespmem:s12], [sflag:$0x2] =	stream.indirect_vreg.gather [hbm4b:s5+s2], $0x80, v4, vm0, $0xb8;
	[tilespmem:$0x18100] =	vst v63  }
0x9e: {  	_ = 	snop  }
0x9f: {  	[tilespmem:s13], [sflag:$0x2] =	stream.indirect_vreg.gather [hbm4b:s3+s2], $0x80, v3, vm0, $0xb8;
	[tilespmem:$0x18100] =	vst v63  }
0xa0: {  	_ = 	snop  }
0xa1: {  	[tilespmem:s14], [sflag:$0x2] =	stream.indirect_vreg.gather [hbm4b:s4+s2], $0x80, v3, vm0, $0xb8;
	[tilespmem:$0x18100] =	vst v63  }
0xa2: {  	_ = 	snop  }
0xa3: {  	[tilespmem:s15], [sflag:$0x2] =	stream.indirect_vreg.gather [hbm4b:s5+s2], $0x80, v3, vm0, $0xb8;
	[tilespmem:$0x18100] =	vst v63  }
0xa4: {  	v3 =	vld [tilespmem:$0xA0];
	_ =	sdelay $0x4  }
0xa5: {  	v62 =	vshrl.u32 v3, $0x3  }
0xa6: {  	v4 =	vmul.u32 $0x30, v62  }
0xa7: {  	v3 =	vand.u32 $0x7, v3  }
0xa8: {  	v3 =	vor.u32 v3, v4  }
0xa9: {  	v4 =	vperm.xlane v3, v0;
	_ =	sdelay $0x1  }
0xaa: {  	v4 =	vadd.s32 v1, v4;
	_ =	sdelay $0x3  }
0xab: {  	v3 =	vperm.xlane v3, v2  }
0xac: {  	[tilespmem:s16], [sflag:$0x2] =	stream.indirect_vreg.gather [hbm4b:s3+s2], $0x80, v4, vm0, $0xb8;
	[tilespmem:$0x18100] =	vst v63  }
0xad: {  	v3 =	vadd.s32 v1, v3  }
0xae: {  	[tilespmem:s17], [sflag:$0x2] =	stream.indirect_vreg.gather [hbm4b:s4+s2], $0x80, v4, vm0, $0xb8;
	[tilespmem:$0x18100] =	vst v63  }
0xaf: {  	_ = 	snop  }
0xb0: {  	[tilespmem:s18], [sflag:$0x2] =	stream.indirect_vreg.gather [hbm4b:s5+s2], $0x80, v4, vm0, $0xb8;
	[tilespmem:$0x18100] =	vst v63  }
0xb1: {  	_ = 	snop  }
0xb2: {  	[tilespmem:s19], [sflag:$0x2] =	stream.indirect_vreg.gather [hbm4b:s3+s2], $0x80, v3, vm0, $0xb8;
	[tilespmem:$0x18100] =	vst v63  }
0xb3: {  	_ = 	snop  }
0xb4: {  	[tilespmem:s20], [sflag:$0x2] =	stream.indirect_vreg.gather [hbm4b:s4+s2], $0x80, v3, vm0, $0xb8;
	[tilespmem:$0x18100] =	vst v63  }
0xb5: {  	_ = 	snop  }
0xb6: {  	[tilespmem:s21], [sflag:$0x2] =	stream.indirect_vreg.gather [hbm4b:s5+s2], $0x80, v3, vm0, $0xb8;
	[tilespmem:$0x18100] =	vst v63  }
0xb7: {  	v3 =	vld [tilespmem:$0xB0];
	_ =	sdelay $0x4  }
0xb8: {  	v63 =	vshrl.u32 v3, $0x3  }
0xb9: {  	v4 =	vmul.u32 $0x30, v63  }
0xba: {  	v3 =	vand.u32 $0x7, v3  }
0xbb: {  	v3 =	vor.u32 v3, v4  }
0xbc: {  	v4 =	vperm.xlane v3, v0;
	_ =	sdelay $0x1  }
0xbd: {  	v4 =	vadd.s32 v1, v4;
	_ =	sdelay $0x3  }
0xbe: {  	v3 =	vperm.xlane v3, v2  }
0xbf: {  	[tilespmem:s22], [sflag:$0x2] =	stream.indirect_vreg.gather [hbm4b:s3+s2], $0x80, v4, vm0, $0xb8;
	[tilespmem:$0x18100] =	vst v63  }
0xc0: {  	v3 =	vadd.s32 v1, v3  }
0xc1: {  	[tilespmem:s23], [sflag:$0x2] =	stream.indirect_vreg.gather [hbm4b:s4+s2], $0x80, v4, vm0, $0xb8;
	[tilespmem:$0x18100] =	vst v63  }
0xc2: {  	_ = 	snop  }
0xc3: {  	[tilespmem:s24], [sflag:$0x2] =	stream.indirect_vreg.gather [hbm4b:s5+s2], $0x80, v4, vm0, $0xb8;
	[tilespmem:$0x18100] =	vst v63  }
0xc4: {  	_ = 	snop  }
0xc5: {  	[tilespmem:s25], [sflag:$0x2] =	stream.indirect_vreg.gather [hbm4b:s3+s2], $0x80, v3, vm0, $0xb8;
	[tilespmem:$0x18100] =	vst v63  }
0xc6: {  	_ = 	snop  }
0xc7: {  	[tilespmem:s26], [sflag:$0x2] =	stream.indirect_vreg.gather [hbm4b:s4+s2], $0x80, v3, vm0, $0xb8;
	[tilespmem:$0x18100] =	vst v63  }
0xc8: {  	_ = 	snop  }
0xc9: {  	[tilespmem:s28], [sflag:$0x2] =	stream.indirect_vreg.gather [hbm4b:s5+s2], $0x80, v3, vm0, $0xb8;
	[tilespmem:$0x18100] =	vst v63  }
0xca: {  	_ =	swait.ge [sflag:s29], $0xC000  }
0xcb: {  	[sflag:s29] =	ssyncset.done $0x0  }
0xcc: {  	s10 =	rddreg [dreg:$0x5];
	[sflag:s29] =	ssyncadd.s32 $0xFFFF4000  }
0xcd: {  	[hbm4b:s10+s2] =	stream.linear.scatter [tilespmem:s8], [sflag:$0x3], $0xC000, $0x38;
	[tilespmem:$0x18100] =	vst v63  }
0xce: {  	_ =	swait.ge [sflag:s30], $0xC000  }
0xcf: {  	[sflag:s30] =	ssyncset.done $0x0  }
0xd0: {  	s10 =	rddreg [dreg:$0x6];
	[sflag:s30] =	ssyncadd.s32 $0xFFFF4000  }
0xd1: {  	[hbm4b:s10+s2] =	stream.linear.scatter [tilespmem:s9], [sflag:$0x4], $0xC000, $0x38;
	[tilespmem:$0x18100] =	vst v63  }
0xd2: {  	p0 =	sne.s32 s6, $0x1;
	_ =	swait.ge [sflag:s31], $0xC000  }
.Ltmp0:
0xd3: {  	[sflag:s31] =	ssyncset.done $0x0;
	(pc) =	sbr.rel @p0 .LBB2_1-.Ltmp0, $4  }
0xd4: {  	[sflag:s31] =	ssyncadd.s32 $0xFFFF4000  }
0xd5: {  	_ =	swait.ge [sflag:s0], $0xC000  }
0xd6: {  	[sflag:s0] =	ssyncset.done $0x0  }
0xd7: {  	s6 =	sadd.s32 $0xFFFFFFFF, s6;
	[sflag:s0] =	ssyncadd.s32 $0xFFFF4000  }
0xd8: {  	_ =	sfence.sel $0x180000  }
0xd9: {  	[bflag:$0x0] =	sbarrier.arrive $0xFFFF  }
0xda: {  	_ =	strace $0x90000047  }
0xdb: {  	s0 =	stileid.u32;
	[bflag:$0x2] =	sbarrier.arrive $0xFFFF  }
0xdc: {  	p0 =	sne.s32 s0, $0x0;
	s0 =	rddreg [dreg:$0x2]  }
0xdd: {  	s0 =	sadd.s32 @!p0 $0x100000, s0  }
0xde: {  	[sflag:s0] =	ssyncadd.tile.s32 @!p0 $0x1;
	_ =	shalt  }
.Lfunc_end2:
_tile_overlayer_lowered:
.L_overlay_start_2:
0xdf: {  	(tag) =	ssettag $0x2  }
0xe0: {  	s0 =	rddreg [dreg:$0x0];
	s2 =	stileid.u32  }
0xe1: {  	s1 =	rddreg [dreg:$0x1];
	p0 =	sne.s32 s2, $0x0  }
0xe2: {  	s3 =	rddreg [dreg:$0x2];
	[bflag:$0x3] =	sbarrier.arrive $0xFFFF;
	s2 =	simm.s32 @!p0 $0x1C05  }
0xe3: {  	[timem:s3], [sflag:s2] =	dma.local @!p0 [hbm:s0], s1  }
0xe4: {  	s0 =	simm.s32 @!p0 $0x5  }
0xe5: {  	_ =	swait.ge @!p0 [sflag:s0], s1  }
0xe6: {  	s1 =	ssub.s32 @!p0 $0x0, s1;
	[sflag:s0] =	ssyncset.done @!p0 $0x0  }
0xe7: {  	[sflag:s0] =	ssyncadd.s32 @!p0 s1  }
0xe8: {  	[bflag:$0x3] =	sbarrier.arrive $0xFFFF  }
0xe9: {  	_ =	shalt  }

</sc_bundles>
